<compile_context>
chip_gen: v7x
topology: tpu7x:2x2x1
jax: 0.10.2.dev20260603
libtpu: 0.0.44.dev20260713+nightly
codegen_flags: <defaults>
</compile_context>

<pallas_src>
import jax
import jax.numpy as jnp
from jax import lax
from jax.experimental import pallas as pl
from jax.experimental.pallas import tpu as pltpu
from jax.experimental.pallas import tpu_sc as plsc

DIM = 64
PAD = 128
STRIP = 128
S = 2
NC = 2
NS = 16
NW = NC * NS
CHUNK = S * STRIP


def _emb_gather(x2d, table, out, idx_v, rows_v, gsem, wsem, isem):
    wid = lax.axis_index("s") * NC + lax.axis_index("c")
    n_strips = x2d.shape[0]
    per_w = n_strips // NW
    chunks = per_w // S
    pairs = chunks // 2
    base = wid * per_w

    def row0(c):
        return base + c * S

    def fire_gathers(b):
        for i in range(S):
            pltpu.async_copy(
                table.at[idx_v.at[b, i]],
                rows_v.at[b, pl.ds(i * STRIP, STRIP)],
                gsem,
            )

    def drain_gathers(b):
        for i in range(S):
            pltpu.make_async_copy(
                table.at[idx_v.at[b, i]],
                rows_v.at[b, pl.ds(i * STRIP, STRIP)],
                gsem,
            ).wait()

    def fire_writeback(c, b):
        pltpu.async_copy(
            rows_v.at[b],
            out.at[pl.ds(row0(c) * STRIP, CHUNK), pl.ds(0, DIM)],
            wsem,
        )

    def drain_writeback(c, b):
        pltpu.make_async_copy(
            rows_v.at[b],
            out.at[pl.ds(row0(c) * STRIP, CHUNK), pl.ds(0, DIM)],
            wsem,
        ).wait()

    def stage_idx(c, b):
        pltpu.async_copy(x2d.at[pl.ds(row0(c), S)], idx_v.at[b], isem)

    def drain_idx(c, b):
        pltpu.make_async_copy(
            x2d.at[pl.ds(row0(c), S)], idx_v.at[b], isem
        ).wait()

    stage_idx(0, 0)
    drain_idx(0, 0)
    stage_idx(1, 1)
    fire_gathers(0)

    def pair_body(g, carry):
        c0 = 2 * g

        @pl.when(g > 0)
        def _():
            drain_writeback(c0 - 1, 1)

        drain_idx(c0 + 1, 1)
        fire_gathers(1)
        drain_gathers(0)
        fire_writeback(c0, 0)

        @pl.when(g < pairs - 1)
        def _():
            stage_idx(c0 + 2, 0)

        c1 = 2 * g + 1
        drain_writeback(c1 - 1, 0)

        @pl.when(g < pairs - 1)
        def _():
            drain_idx(c1 + 1, 0)
            fire_gathers(0)

        drain_gathers(1)
        fire_writeback(c1, 1)

        @pl.when(g < pairs - 1)
        def _():
            stage_idx(c1 + 2, 1)

        return carry

    lax.fori_loop(0, pairs, pair_body, 0)
    drain_writeback(chunks - 1, 1)


def kernel(x, weight):
    B0, B1 = x.shape
    n = B0 * B1
    xf = x.reshape(n).astype(jnp.int32)
    n_strips = n // STRIP
    x2d = xf.reshape(n_strips, STRIP)

    mesh = plsc.VectorSubcoreMesh(core_axis_name="c", subcore_axis_name="s")
    run = pl.kernel(
        _emb_gather,
        mesh=mesh,
        out_type=jax.ShapeDtypeStruct((n, PAD), jnp.float32),
        scratch_types=[
            pltpu.VMEM((2, S, STRIP), jnp.int32),
            pltpu.VMEM((2, CHUNK, DIM), jnp.float32),
            pltpu.SemaphoreType.DMA,
            pltpu.SemaphoreType.DMA,
            pltpu.SemaphoreType.DMA,
        ],
        compiler_params=pltpu.CompilerParams(use_tc_tiling_on_sc=False),
    )
    outf = run(x2d, weight)
    return outf[:, :DIM].reshape(B0, B1, DIM)

# --- scband reference (transcript-rebuilt; emitter-appended) ---
"""Pipeline reference for scband-embedding-dropout-31181462569106 (READ-ONLY COPY).

The authoritative reference and input builder live on the scoring server;
editing this copy changes nothing except your own understanding.
"""

import jax, jax.numpy as jnp
import numpy as np

NUM_EMBEDDINGS = 1000000
EMBEDDING_DIM = 64

def setup_inputs(seed: int = 0) -> dict:
    key = jax.random.key(seed)
    k1, k2 = jax.random.split(key)
    x = jax.random.randint(k1, (4096, 200), 0, NUM_EMBEDDINGS, dtype=jnp.int64) if jax.config.jax_enable_x64 else jax.random.randint(k1, (4096, 200), 0, NUM_EMBEDDINGS, dtype=jnp.int32)
    weight = jax.random.normal(k2, (NUM_EMBEDDINGS, EMBEDDING_DIM), dtype=jnp.float32)
    return {"x": x, "weight": weight}

def reference(x, weight):
    # Eval-mode EmbeddingDropout: dropout mask is identity at inference,
    # so forward is a plain embedding lookup (gather) into the table.
    return jnp.take(weight, x, axis=0)

if __name__ == "__main__":
    import jax
    _d = setup_inputs()
    print(jax.jit(kernel)(*tuple(_d.values())))

</pallas_src>

<mosaic_0001>
#map = affine_map<(d0, d1) -> (0, 0)>
module attributes {stable_mosaic.version = 14 : i64} {
  func.func @_emb_gather(%arg0: i32, %arg1: i32, %arg2: memref<6400x128xi32, #tpu.memory_space<hbm>>, %arg3: memref<1000000x64xf32, #tpu.memory_space<hbm>>, %arg4: memref<819200x128xf32, #tpu.memory_space<hbm>>, %arg5: memref<2x2x128xi32, #tpu.memory_space<vmem>>, %arg6: memref<2x256x64xf32, #tpu.memory_space<vmem>>, %arg7: memref<!tpu.dma_semaphore, #tpu.memory_space<semaphore_mem>>, %arg8: memref<!tpu.dma_semaphore, #tpu.memory_space<semaphore_mem>>, %arg9: memref<!tpu.dma_semaphore, #tpu.memory_space<semaphore_mem>>) attributes {dimension_semantics = [#tpu.dimension_semantics<core_parallel>, #tpu.dimension_semantics<subcore_parallel>], iteration_bounds = array<i64: 2, 16>, scalar_prefetch = 0 : i64, scratch_operands = 5 : i64, tpu.core_type = #tpu.core_type<sc_vector_subcore>, window_params = [{transform_indices = #map}, {transform_indices = #map}, {transform_indices = #map}]} {
    %mul3A = arith.constant 2 : i32
    %mul3A_0 = arith.muli %arg1, %mul3A : i32
    %add3A = arith.addi %mul3A_0, %arg0 : i32
    %mul3A_1 = arith.constant 200 : i32
    %mul3A_2 = arith.muli %add3A, %mul3A_1 : i32
    %add3A_3 = arith.constant 0 : i32
    %add3A_4 = arith.addi %mul3A_2, %add3A_3 : i32
    %dma_start3A = arith.constant 0 : i32
    %dma_start3A_5 = arith.constant 0 : i32
    %dma_start3A_6 = arith.constant 0 : i32
    %dma_start3A_7 = tpu.memref_slice %arg5[%dma_start3A, %dma_start3A_5, %dma_start3A_6] : memref<2x2x128xi32, #tpu.memory_space<vmem>> -> memref<1x2x128xi32, #tpu.memory_space<vmem>>
    %dma_start3A_8 = tpu.memref_squeeze %dma_start3A_7 : memref<1x2x128xi32, #tpu.memory_space<vmem>> -> memref<2x128xi32, #tpu.memory_space<vmem>>
    %dma_start3A_9 = arith.constant 0 : i32
    %dma_start3A_10 = tpu.memref_slice %arg2[%add3A_4, %dma_start3A_9] : memref<6400x128xi32, #tpu.memory_space<hbm>> -> memref<2x128xi32, #tpu.memory_space<hbm>>
    %dma_start3A_11 = arith.constant 0 : i32
    %dma_start3A_12 = arith.constant 0 : i32
    %dma_start3A_13 = tpu.memref_slice %arg5[%dma_start3A, %dma_start3A_11, %dma_start3A_12] : memref<2x2x128xi32, #tpu.memory_space<vmem>> -> memref<1x2x128xi32, #tpu.memory_space<vmem>>
    %dma_start3A_14 = tpu.memref_squeeze %dma_start3A_13 : memref<1x2x128xi32, #tpu.memory_space<vmem>> -> memref<2x128xi32, #tpu.memory_space<vmem>>
    %dma_start3A_15 = arith.constant 0 : i32
    %dma_start3A_16 = tpu.memref_slice %arg2[%add3A_4, %dma_start3A_15] : memref<6400x128xi32, #tpu.memory_space<hbm>> -> memref<2x128xi32, #tpu.memory_space<hbm>>
    tpu.enqueue_dma source(%dma_start3A_16 : memref<2x128xi32, #tpu.memory_space<hbm>>) target(%dma_start3A_14 : memref<2x128xi32, #tpu.memory_space<vmem>>) target_semaphore(%arg9 : memref<!tpu.dma_semaphore, #tpu.memory_space<semaphore_mem>>)
    %add3A_17 = arith.constant 0 : i32
    %add3A_18 = arith.addi %mul3A_2, %add3A_17 : i32
    %dma_wait3A = arith.constant 0 : i32
    %dma_wait3A_19 = arith.constant 0 : i32
    %dma_wait3A_20 = arith.constant 0 : i32
    %dma_wait3A_21 = tpu.memref_slice %arg5[%dma_wait3A, %dma_wait3A_19, %dma_wait3A_20] : memref<2x2x128xi32, #tpu.memory_space<vmem>> -> memref<1x2x128xi32, #tpu.memory_space<vmem>>
    %dma_wait3A_22 = tpu.memref_squeeze %dma_wait3A_21 : memref<1x2x128xi32, #tpu.memory_space<vmem>> -> memref<2x128xi32, #tpu.memory_space<vmem>>
    %dma_wait3A_23 = arith.constant 0 : i32
    %dma_wait3A_24 = tpu.memref_slice %arg2[%add3A_18, %dma_wait3A_23] : memref<6400x128xi32, #tpu.memory_space<hbm>> -> memref<2x128xi32, #tpu.memory_space<hbm>>
    %dma_wait3A_25 = arith.constant 0 : i32
    %dma_wait3A_26 = arith.constant 0 : i32
    %dma_wait3A_27 = tpu.memref_slice %arg5[%dma_wait3A, %dma_wait3A_25, %dma_wait3A_26] : memref<2x2x128xi32, #tpu.memory_space<vmem>> -> memref<1x2x128xi32, #tpu.memory_space<vmem>>
    %dma_wait3A_28 = tpu.memref_squeeze %dma_wait3A_27 : memref<1x2x128xi32, #tpu.memory_space<vmem>> -> memref<2x128xi32, #tpu.memory_space<vmem>>
    %dma_wait3A_29 = arith.constant 0 : i32
    %dma_wait3A_30 = tpu.memref_slice %arg2[%add3A_18, %dma_wait3A_29] : memref<6400x128xi32, #tpu.memory_space<hbm>> -> memref<2x128xi32, #tpu.memory_space<hbm>>
    tpu.wait_dma2 semaphore(%arg9 : memref<!tpu.dma_semaphore, #tpu.memory_space<semaphore_mem>>) src(%dma_wait3A_30 : memref<2x128xi32, #tpu.memory_space<hbm>>) dst(%dma_wait3A_28 : memref<2x128xi32, #tpu.memory_space<vmem>>)
    %add3A_31 = arith.constant 2 : i32
    %add3A_32 = arith.addi %mul3A_2, %add3A_31 : i32
    %dma_start3A_33 = arith.constant 1 : i32
    %dma_start3A_34 = arith.constant 0 : i32
    %dma_start3A_35 = arith.constant 0 : i32
    %dma_start3A_36 = tpu.memref_slice %arg5[%dma_start3A_33, %dma_start3A_34, %dma_start3A_35] : memref<2x2x128xi32, #tpu.memory_space<vmem>> -> memref<1x2x128xi32, #tpu.memory_space<vmem>>
    %dma_start3A_37 = tpu.memref_squeeze %dma_start3A_36 : memref<1x2x128xi32, #tpu.memory_space<vmem>> -> memref<2x128xi32, #tpu.memory_space<vmem>>
    %dma_start3A_38 = arith.constant 0 : i32
    %dma_start3A_39 = tpu.memref_slice %arg2[%add3A_32, %dma_start3A_38] : memref<6400x128xi32, #tpu.memory_space<hbm>> -> memref<2x128xi32, #tpu.memory_space<hbm>>
    %dma_start3A_40 = arith.constant 0 : i32
    %dma_start3A_41 = arith.constant 0 : i32
    %dma_start3A_42 = tpu.memref_slice %arg5[%dma_start3A_33, %dma_start3A_40, %dma_start3A_41] : memref<2x2x128xi32, #tpu.memory_space<vmem>> -> memref<1x2x128xi32, #tpu.memory_space<vmem>>
    %dma_start3A_43 = tpu.memref_squeeze %dma_start3A_42 : memref<1x2x128xi32, #tpu.memory_space<vmem>> -> memref<2x128xi32, #tpu.memory_space<vmem>>
    %dma_start3A_44 = arith.constant 0 : i32
    %dma_start3A_45 = tpu.memref_slice %arg2[%add3A_32, %dma_start3A_44] : memref<6400x128xi32, #tpu.memory_space<hbm>> -> memref<2x128xi32, #tpu.memory_space<hbm>>
    tpu.enqueue_dma source(%dma_start3A_45 : memref<2x128xi32, #tpu.memory_space<hbm>>) target(%dma_start3A_43 : memref<2x128xi32, #tpu.memory_space<vmem>>) target_semaphore(%arg9 : memref<!tpu.dma_semaphore, #tpu.memory_space<semaphore_mem>>)
    %dma_start3A_46 = arith.constant 0 : i32
    %dma_start3A_47 = arith.constant 0 : i32
    %dma_start3A_48 = arith.constant 0 : i32
    %dma_start3A_49 = arith.constant 0 : i32
    %dma_start3A_50 = arith.constant 0 : i32
    %dma_start3A_51 = tpu.memref_slice %arg6[%dma_start3A_48, %dma_start3A_49, %dma_start3A_50] : memref<2x256x64xf32, #tpu.memory_space<vmem>> -> memref<1x128x64xf32, #tpu.memory_space<vmem>>
    %dma_start3A_52 = tpu.memref_squeeze %dma_start3A_51 : memref<1x128x64xf32, #tpu.memory_space<vmem>> -> memref<128x64xf32, #tpu.memory_space<vmem>>
    %dma_start3A_53 = arith.constant 0 : i32
    %dma_start3A_54 = tpu.memref_slice %arg5[%dma_start3A_46, %dma_start3A_47, %dma_start3A_53] : memref<2x2x128xi32, #tpu.memory_space<vmem>> -> memref<1x1x128xi32, #tpu.memory_space<vmem>>
    %dma_start3A_55 = tpu.memref_squeeze %dma_start3A_54 : memref<1x1x128xi32, #tpu.memory_space<vmem>> -> memref<128xi32, #tpu.memory_space<vmem>>
    %dma_start3A_56 = arith.constant 0 : i32
    %dma_start3A_57 = arith.constant 0 : i32
    %dma_start3A_58 = tpu.memref_slice %arg3[%dma_start3A_56, %dma_start3A_57] : memref<1000000x64xf32, #tpu.memory_space<hbm>> -> memref<1000000x64xf32, #tpu.memory_space<hbm>>
    tpu.enqueue_indirect_dma source(%dma_start3A_58 : memref<1000000x64xf32, #tpu.memory_space<hbm>>) target(%dma_start3A_52 : memref<128x64xf32, #tpu.memory_space<vmem>>) offsets(%dma_start3A_55 : memref<128xi32, #tpu.memory_space<vmem>>) semaphore(%arg7 : memref<!tpu.dma_semaphore, #tpu.memory_space<semaphore_mem>>)
    %dma_start3A_59 = arith.constant 0 : i32
    %dma_start3A_60 = arith.constant 1 : i32
    %dma_start3A_61 = arith.constant 0 : i32
    %dma_start3A_62 = arith.constant 128 : i32
    %dma_start3A_63 = arith.constant 0 : i32
    %dma_start3A_64 = tpu.memref_slice %arg6[%dma_start3A_61, %dma_start3A_62, %dma_start3A_63] : memref<2x256x64xf32, #tpu.memory_space<vmem>> -> memref<1x128x64xf32, #tpu.memory_space<vmem>>
    %dma_start3A_65 = tpu.memref_squeeze %dma_start3A_64 : memref<1x128x64xf32, #tpu.memory_space<vmem>> -> memref<128x64xf32, #tpu.memory_space<vmem>>
    %dma_start3A_66 = arith.constant 0 : i32
    %dma_start3A_67 = tpu.memref_slice %arg5[%dma_start3A_59, %dma_start3A_60, %dma_start3A_66] : memref<2x2x128xi32, #tpu.memory_space<vmem>> -> memref<1x1x128xi32, #tpu.memory_space<vmem>>
    %dma_start3A_68 = tpu.memref_squeeze %dma_start3A_67 : memref<1x1x128xi32, #tpu.memory_space<vmem>> -> memref<128xi32, #tpu.memory_space<vmem>>
    %dma_start3A_69 = arith.constant 0 : i32
    %dma_start3A_70 = arith.constant 0 : i32
    %dma_start3A_71 = tpu.memref_slice %arg3[%dma_start3A_69, %dma_start3A_70] : memref<1000000x64xf32, #tpu.memory_space<hbm>> -> memref<1000000x64xf32, #tpu.memory_space<hbm>>
    tpu.enqueue_indirect_dma source(%dma_start3A_71 : memref<1000000x64xf32, #tpu.memory_space<hbm>>) target(%dma_start3A_65 : memref<128x64xf32, #tpu.memory_space<vmem>>) offsets(%dma_start3A_68 : memref<128xi32, #tpu.memory_space<vmem>>) semaphore(%arg7 : memref<!tpu.dma_semaphore, #tpu.memory_space<semaphore_mem>>)
    %scan3A = arith.constant 0 : i32
    %scan3A_72 = arith.constant 0 : i32
    %scan3A_73 = arith.constant 50 : i32
    %scan3A_74 = arith.addi %scan3A_72, %scan3A_73 : i32
    %scan3A_75 = arith.constant 1 : i32
    scf.for %scan3A_94 = %scan3A_72 to %scan3A_74 step %scan3A_75  : i32 {
      %mul3A_95 = arith.constant 2 : i32
      %mul3A_96 = arith.muli %mul3A_95, %scan3A_94 : i32
      %gt3A = arith.constant 0 : i32
      %gt3A_97 = arith.cmpi sgt, %scan3A_94, %gt3A : i32
      %convert_element_type3A = arith.extui %gt3A_97 : i1 to i32
      %cond3A = arith.constant 0 : i32
      %cond3A_98 = arith.cmpi ne, %convert_element_type3A, %cond3A : i32
      scf.if %cond3A_98 {
        %sub3A_268 = arith.constant 1 : i32
        %sub3A_269 = arith.subi %mul3A_96, %sub3A_268 : i32
        %mul3A_270 = arith.constant 2 : i32
        %mul3A_271 = arith.muli %sub3A_269, %mul3A_270 : i32
        %add3A_272 = arith.addi %mul3A_2, %mul3A_271 : i32
        %mul3A_273 = arith.constant 128 : i32
        %mul3A_274 = arith.muli %add3A_272, %mul3A_273 : i32
        %dma_wait3A_275 = arith.constant 1 : i32
        %dma_wait3A_276 = arith.constant 0 : i32
        %dma_wait3A_277 = arith.constant 0 : i32
        %dma_wait3A_278 = tpu.memref_slice %arg6[%dma_wait3A_275, %dma_wait3A_276, %dma_wait3A_277] : memref<2x256x64xf32, #tpu.memory_space<vmem>> -> memref<1x256x64xf32, #tpu.memory_space<vmem>>
        %dma_wait3A_279 = tpu.memref_squeeze %dma_wait3A_278 : memref<1x256x64xf32, #tpu.memory_space<vmem>> -> memref<256x64xf32, #tpu.memory_space<vmem>>
        %dma_wait3A_280 = arith.constant 0 : i32
        %dma_wait3A_281 = tpu.memref_slice %arg4[%mul3A_274, %dma_wait3A_280] : memref<819200x128xf32, #tpu.memory_space<hbm>> -> memref<256x64xf32, #tpu.memory_space<hbm>>
        %dma_wait3A_282 = arith.constant 0 : i32
        %dma_wait3A_283 = tpu.memref_slice %arg4[%mul3A_274, %dma_wait3A_282] : memref<819200x128xf32, #tpu.memory_space<hbm>> -> memref<256x64xf32, #tpu.memory_space<hbm>>
        %dma_wait3A_284 = arith.constant 0 : i32
        %dma_wait3A_285 = arith.constant 0 : i32
        %dma_wait3A_286 = tpu.memref_slice %arg6[%dma_wait3A_275, %dma_wait3A_284, %dma_wait3A_285] : memref<2x256x64xf32, #tpu.memory_space<vmem>> -> memref<1x256x64xf32, #tpu.memory_space<vmem>>
        %dma_wait3A_287 = tpu.memref_squeeze %dma_wait3A_286 : memref<1x256x64xf32, #tpu.memory_space<vmem>> -> memref<256x64xf32, #tpu.memory_space<vmem>>
        tpu.wait_dma2 semaphore(%arg8 : memref<!tpu.dma_semaphore, #tpu.memory_space<semaphore_mem>>) src(%dma_wait3A_287 : memref<256x64xf32, #tpu.memory_space<vmem>>) dst(%dma_wait3A_283 : memref<256x64xf32, #tpu.memory_space<hbm>>)
      } else {
      }
      %add3A_99 = arith.constant 1 : i32
      %add3A_100 = arith.addi %mul3A_96, %add3A_99 : i32
      %mul3A_101 = arith.constant 2 : i32
      %mul3A_102 = arith.muli %add3A_100, %mul3A_101 : i32
      %add3A_103 = arith.addi %mul3A_2, %mul3A_102 : i32
      %dma_wait3A_104 = arith.constant 1 : i32
      %dma_wait3A_105 = arith.constant 0 : i32
      %dma_wait3A_106 = arith.constant 0 : i32
      %dma_wait3A_107 = tpu.memref_slice %arg5[%dma_wait3A_104, %dma_wait3A_105, %dma_wait3A_106] : memref<2x2x128xi32, #tpu.memory_space<vmem>> -> memref<1x2x128xi32, #tpu.memory_space<vmem>>
      %dma_wait3A_108 = tpu.memref_squeeze %dma_wait3A_107 : memref<1x2x128xi32, #tpu.memory_space<vmem>> -> memref<2x128xi32, #tpu.memory_space<vmem>>
      %dma_wait3A_109 = arith.constant 0 : i32
      %dma_wait3A_110 = tpu.memref_slice %arg2[%add3A_103, %dma_wait3A_109] : memref<6400x128xi32, #tpu.memory_space<hbm>> -> memref<2x128xi32, #tpu.memory_space<hbm>>
      %dma_wait3A_111 = arith.constant 0 : i32
      %dma_wait3A_112 = arith.constant 0 : i32
      %dma_wait3A_113 = tpu.memref_slice %arg5[%dma_wait3A_104, %dma_wait3A_111, %dma_wait3A_112] : memref<2x2x128xi32, #tpu.memory_space<vmem>> -> memref<1x2x128xi32, #tpu.memory_space<vmem>>
      %dma_wait3A_114 = tpu.memref_squeeze %dma_wait3A_113 : memref<1x2x128xi32, #tpu.memory_space<vmem>> -> memref<2x128xi32, #tpu.memory_space<vmem>>
      %dma_wait3A_115 = arith.constant 0 : i32
      %dma_wait3A_116 = tpu.memref_slice %arg2[%add3A_103, %dma_wait3A_115] : memref<6400x128xi32, #tpu.memory_space<hbm>> -> memref<2x128xi32, #tpu.memory_space<hbm>>
      tpu.wait_dma2 semaphore(%arg9 : memref<!tpu.dma_semaphore, #tpu.memory_space<semaphore_mem>>) src(%dma_wait3A_116 : memref<2x128xi32, #tpu.memory_space<hbm>>) dst(%dma_wait3A_114 : memref<2x128xi32, #tpu.memory_space<vmem>>)
      %dma_start3A_117 = arith.constant 1 : i32
      %dma_start3A_118 = arith.constant 0 : i32
      %dma_start3A_119 = arith.constant 1 : i32
      %dma_start3A_120 = arith.constant 0 : i32
      %dma_start3A_121 = arith.constant 0 : i32
      %dma_start3A_122 = tpu.memref_slice %arg6[%dma_start3A_119, %dma_start3A_120, %dma_start3A_121] : memref<2x256x64xf32, #tpu.memory_space<vmem>> -> memref<1x128x64xf32, #tpu.memory_space<vmem>>
      %dma_start3A_123 = tpu.memref_squeeze %dma_start3A_122 : memref<1x128x64xf32, #tpu.memory_space<vmem>> -> memref<128x64xf32, #tpu.memory_space<vmem>>
      %dma_start3A_124 = arith.constant 0 : i32
      %dma_start3A_125 = tpu.memref_slice %arg5[%dma_start3A_117, %dma_start3A_118, %dma_start3A_124] : memref<2x2x128xi32, #tpu.memory_space<vmem>> -> memref<1x1x128xi32, #tpu.memory_space<vmem>>
      %dma_start3A_126 = tpu.memref_squeeze %dma_start3A_125 : memref<1x1x128xi32, #tpu.memory_space<vmem>> -> memref<128xi32, #tpu.memory_space<vmem>>
      %dma_start3A_127 = arith.constant 0 : i32
      %dma_start3A_128 = arith.constant 0 : i32
      %dma_start3A_129 = tpu.memref_slice %arg3[%dma_start3A_127, %dma_start3A_128] : memref<1000000x64xf32, #tpu.memory_space<hbm>> -> memref<1000000x64xf32, #tpu.memory_space<hbm>>
      tpu.enqueue_indirect_dma source(%dma_start3A_129 : memref<1000000x64xf32, #tpu.memory_space<hbm>>) target(%dma_start3A_123 : memref<128x64xf32, #tpu.memory_space<vmem>>) offsets(%dma_start3A_126 : memref<128xi32, #tpu.memory_space<vmem>>) semaphore(%arg7 : memref<!tpu.dma_semaphore, #tpu.memory_space<semaphore_mem>>)
      %dma_start3A_130 = arith.constant 1 : i32
      %dma_start3A_131 = arith.constant 1 : i32
      %dma_start3A_132 = arith.constant 1 : i32
      %dma_start3A_133 = arith.constant 128 : i32
      %dma_start3A_134 = arith.constant 0 : i32
      %dma_start3A_135 = tpu.memref_slice %arg6[%dma_start3A_132, %dma_start3A_133, %dma_start3A_134] : memref<2x256x64xf32, #tpu.memory_space<vmem>> -> memref<1x128x64xf32, #tpu.memory_space<vmem>>
      %dma_start3A_136 = tpu.memref_squeeze %dma_start3A_135 : memref<1x128x64xf32, #tpu.memory_space<vmem>> -> memref<128x64xf32, #tpu.memory_space<vmem>>
      %dma_start3A_137 = arith.constant 0 : i32
      %dma_start3A_138 = tpu.memref_slice %arg5[%dma_start3A_130, %dma_start3A_131, %dma_start3A_137] : memref<2x2x128xi32, #tpu.memory_space<vmem>> -> memref<1x1x128xi32, #tpu.memory_space<vmem>>
      %dma_start3A_139 = tpu.memref_squeeze %dma_start3A_138 : memref<1x1x128xi32, #tpu.memory_space<vmem>> -> memref<128xi32, #tpu.memory_space<vmem>>
      %dma_start3A_140 = arith.constant 0 : i32
      %dma_start3A_141 = arith.constant 0 : i32
      %dma_start3A_142 = tpu.memref_slice %arg3[%dma_start3A_140, %dma_start3A_141] : memref<1000000x64xf32, #tpu.memory_space<hbm>> -> memref<1000000x64xf32, #tpu.memory_space<hbm>>
      tpu.enqueue_indirect_dma source(%dma_start3A_142 : memref<1000000x64xf32, #tpu.memory_space<hbm>>) target(%dma_start3A_136 : memref<128x64xf32, #tpu.memory_space<vmem>>) offsets(%dma_start3A_139 : memref<128xi32, #tpu.memory_space<vmem>>) semaphore(%arg7 : memref<!tpu.dma_semaphore, #tpu.memory_space<semaphore_mem>>)
      %dma_wait3A_143 = arith.constant 0 : i32
      %dma_wait3A_144 = arith.constant 0 : i32
      %dma_wait3A_145 = arith.constant 0 : i32
      %dma_wait3A_146 = arith.constant 0 : i32
      %dma_wait3A_147 = arith.constant 0 : i32
      %dma_wait3A_148 = tpu.memref_slice %arg6[%dma_wait3A_145, %dma_wait3A_146, %dma_wait3A_147] : memref<2x256x64xf32, #tpu.memory_space<vmem>> -> memref<1x128x64xf32, #tpu.memory_space<vmem>>
      %dma_wait3A_149 = tpu.memref_squeeze %dma_wait3A_148 : memref<1x128x64xf32, #tpu.memory_space<vmem>> -> memref<128x64xf32, #tpu.memory_space<vmem>>
      %dma_wait3A_150 = arith.constant 0 : i32
      %dma_wait3A_151 = tpu.memref_slice %arg5[%dma_wait3A_143, %dma_wait3A_144, %dma_wait3A_150] : memref<2x2x128xi32, #tpu.memory_space<vmem>> -> memref<1x1x128xi32, #tpu.memory_space<vmem>>
      %dma_wait3A_152 = tpu.memref_squeeze %dma_wait3A_151 : memref<1x1x128xi32, #tpu.memory_space<vmem>> -> memref<128xi32, #tpu.memory_space<vmem>>
      %dma_wait3A_153 = arith.constant 0 : i32
      %dma_wait3A_154 = arith.constant 0 : i32
      %dma_wait3A_155 = tpu.memref_slice %arg3[%dma_wait3A_153, %dma_wait3A_154] : memref<1000000x64xf32, #tpu.memory_space<hbm>> -> memref<1000000x64xf32, #tpu.memory_space<hbm>>
      tpu.wait_indirect_dma semaphore(%arg7 : memref<!tpu.dma_semaphore, #tpu.memory_space<semaphore_mem>>) src(%dma_wait3A_155 : memref<1000000x64xf32, #tpu.memory_space<hbm>>) dst(%dma_wait3A_149 : memref<128x64xf32, #tpu.memory_space<vmem>>)
      %dma_wait3A_156 = arith.constant 0 : i32
      %dma_wait3A_157 = arith.constant 1 : i32
      %dma_wait3A_158 = arith.constant 0 : i32
      %dma_wait3A_159 = arith.constant 128 : i32
      %dma_wait3A_160 = arith.constant 0 : i32
      %dma_wait3A_161 = tpu.memref_slice %arg6[%dma_wait3A_158, %dma_wait3A_159, %dma_wait3A_160] : memref<2x256x64xf32, #tpu.memory_space<vmem>> -> memref<1x128x64xf32, #tpu.memory_space<vmem>>
      %dma_wait3A_162 = tpu.memref_squeeze %dma_wait3A_161 : memref<1x128x64xf32, #tpu.memory_space<vmem>> -> memref<128x64xf32, #tpu.memory_space<vmem>>
      %dma_wait3A_163 = arith.constant 0 : i32
      %dma_wait3A_164 = tpu.memref_slice %arg5[%dma_wait3A_156, %dma_wait3A_157, %dma_wait3A_163] : memref<2x2x128xi32, #tpu.memory_space<vmem>> -> memref<1x1x128xi32, #tpu.memory_space<vmem>>
      %dma_wait3A_165 = tpu.memref_squeeze %dma_wait3A_164 : memref<1x1x128xi32, #tpu.memory_space<vmem>> -> memref<128xi32, #tpu.memory_space<vmem>>
      %dma_wait3A_166 = arith.constant 0 : i32
      %dma_wait3A_167 = arith.constant 0 : i32
      %dma_wait3A_168 = tpu.memref_slice %arg3[%dma_wait3A_166, %dma_wait3A_167] : memref<1000000x64xf32, #tpu.memory_space<hbm>> -> memref<1000000x64xf32, #tpu.memory_space<hbm>>
      tpu.wait_indirect_dma semaphore(%arg7 : memref<!tpu.dma_semaphore, #tpu.memory_space<semaphore_mem>>) src(%dma_wait3A_168 : memref<1000000x64xf32, #tpu.memory_space<hbm>>) dst(%dma_wait3A_162 : memref<128x64xf32, #tpu.memory_space<vmem>>)
      %mul3A_169 = arith.constant 2 : i32
      %mul3A_170 = arith.muli %mul3A_96, %mul3A_169 : i32
      %add3A_171 = arith.addi %mul3A_2, %mul3A_170 : i32
      %mul3A_172 = arith.constant 128 : i32
      %mul3A_173 = arith.muli %add3A_171, %mul3A_172 : i32
      %dma_start3A_174 = arith.constant 0 : i32
      %dma_start3A_175 = arith.constant 0 : i32
      %dma_start3A_176 = arith.constant 0 : i32
      %dma_start3A_177 = tpu.memref_slice %arg6[%dma_start3A_174, %dma_start3A_175, %dma_start3A_176] : memref<2x256x64xf32, #tpu.memory_space<vmem>> -> memref<1x256x64xf32, #tpu.memory_space<vmem>>
      %dma_start3A_178 = tpu.memref_squeeze %dma_start3A_177 : memref<1x256x64xf32, #tpu.memory_space<vmem>> -> memref<256x64xf32, #tpu.memory_space<vmem>>
      %dma_start3A_179 = arith.constant 0 : i32
      %dma_start3A_180 = tpu.memref_slice %arg4[%mul3A_173, %dma_start3A_179] : memref<819200x128xf32, #tpu.memory_space<hbm>> -> memref<256x64xf32, #tpu.memory_space<hbm>>
      %dma_start3A_181 = arith.constant 0 : i32
      %dma_start3A_182 = tpu.memref_slice %arg4[%mul3A_173, %dma_start3A_181] : memref<819200x128xf32, #tpu.memory_space<hbm>> -> memref<256x64xf32, #tpu.memory_space<hbm>>
      %dma_start3A_183 = arith.constant 0 : i32
      %dma_start3A_184 = arith.constant 0 : i32
      %dma_start3A_185 = tpu.memref_slice %arg6[%dma_start3A_174, %dma_start3A_183, %dma_start3A_184] : memref<2x256x64xf32, #tpu.memory_space<vmem>> -> memref<1x256x64xf32, #tpu.memory_space<vmem>>
      %dma_start3A_186 = tpu.memref_squeeze %dma_start3A_185 : memref<1x256x64xf32, #tpu.memory_space<vmem>> -> memref<256x64xf32, #tpu.memory_space<vmem>>
      tpu.enqueue_dma source(%dma_start3A_186 : memref<256x64xf32, #tpu.memory_space<vmem>>) target(%dma_start3A_182 : memref<256x64xf32, #tpu.memory_space<hbm>>) target_semaphore(%arg8 : memref<!tpu.dma_semaphore, #tpu.memory_space<semaphore_mem>>)
      %lt3A = arith.constant 49 : i32
      %lt3A_187 = arith.cmpi slt, %scan3A_94, %lt3A : i32
      %convert_element_type3A_188 = arith.extui %lt3A_187 : i1 to i32
      %cond3A_189 = arith.constant 0 : i32
      %cond3A_190 = arith.cmpi ne, %convert_element_type3A_188, %cond3A_189 : i32
      scf.if %cond3A_190 {
        %add3A_268 = arith.constant 2 : i32
        %add3A_269 = arith.addi %mul3A_96, %add3A_268 : i32
        %mul3A_270 = arith.constant 2 : i32
        %mul3A_271 = arith.muli %add3A_269, %mul3A_270 : i32
        %add3A_272 = arith.addi %mul3A_2, %mul3A_271 : i32
        %dma_start3A_273 = arith.constant 0 : i32
        %dma_start3A_274 = arith.constant 0 : i32
        %dma_start3A_275 = arith.constant 0 : i32
        %dma_start3A_276 = tpu.memref_slice %arg5[%dma_start3A_273, %dma_start3A_274, %dma_start3A_275] : memref<2x2x128xi32, #tpu.memory_space<vmem>> -> memref<1x2x128xi32, #tpu.memory_space<vmem>>
        %dma_start3A_277 = tpu.memref_squeeze %dma_start3A_276 : memref<1x2x128xi32, #tpu.memory_space<vmem>> -> memref<2x128xi32, #tpu.memory_space<vmem>>
        %dma_start3A_278 = arith.constant 0 : i32
        %dma_start3A_279 = tpu.memref_slice %arg2[%add3A_272, %dma_start3A_278] : memref<6400x128xi32, #tpu.memory_space<hbm>> -> memref<2x128xi32, #tpu.memory_space<hbm>>
        %dma_start3A_280 = arith.constant 0 : i32
        %dma_start3A_281 = arith.constant 0 : i32
        %dma_start3A_282 = tpu.memref_slice %arg5[%dma_start3A_273, %dma_start3A_280, %dma_start3A_281] : memref<2x2x128xi32, #tpu.memory_space<vmem>> -> memref<1x2x128xi32, #tpu.memory_space<vmem>>
        %dma_start3A_283 = tpu.memref_squeeze %dma_start3A_282 : memref<1x2x128xi32, #tpu.memory_space<vmem>> -> memref<2x128xi32, #tpu.memory_space<vmem>>
        %dma_start3A_284 = arith.constant 0 : i32
        %dma_start3A_285 = tpu.memref_slice %arg2[%add3A_272, %dma_start3A_284] : memref<6400x128xi32, #tpu.memory_space<hbm>> -> memref<2x128xi32, #tpu.memory_space<hbm>>
        tpu.enqueue_dma source(%dma_start3A_285 : memref<2x128xi32, #tpu.memory_space<hbm>>) target(%dma_start3A_283 : memref<2x128xi32, #tpu.memory_space<vmem>>) target_semaphore(%arg9 : memref<!tpu.dma_semaphore, #tpu.memory_space<semaphore_mem>>)
      } else {
      }
      %mul3A_191 = arith.constant 2 : i32
      %mul3A_192 = arith.muli %mul3A_191, %scan3A_94 : i32
      %add3A_193 = arith.constant 1 : i32
      %add3A_194 = arith.addi %mul3A_192, %add3A_193 : i32
      %sub3A = arith.constant 1 : i32
      %sub3A_195 = arith.subi %add3A_194, %sub3A : i32
      %mul3A_196 = arith.constant 2 : i32
      %mul3A_197 = arith.muli %sub3A_195, %mul3A_196 : i32
      %add3A_198 = arith.addi %mul3A_2, %mul3A_197 : i32
      %mul3A_199 = arith.constant 128 : i32
      %mul3A_200 = arith.muli %add3A_198, %mul3A_199 : i32
      %dma_wait3A_201 = arith.constant 0 : i32
      %dma_wait3A_202 = arith.constant 0 : i32
      %dma_wait3A_203 = arith.constant 0 : i32
      %dma_wait3A_204 = tpu.memref_slice %arg6[%dma_wait3A_201, %dma_wait3A_202, %dma_wait3A_203] : memref<2x256x64xf32, #tpu.memory_space<vmem>> -> memref<1x256x64xf32, #tpu.memory_space<vmem>>
      %dma_wait3A_205 = tpu.memref_squeeze %dma_wait3A_204 : memref<1x256x64xf32, #tpu.memory_space<vmem>> -> memref<256x64xf32, #tpu.memory_space<vmem>>
      %dma_wait3A_206 = arith.constant 0 : i32
      %dma_wait3A_207 = tpu.memref_slice %arg4[%mul3A_200, %dma_wait3A_206] : memref<819200x128xf32, #tpu.memory_space<hbm>> -> memref<256x64xf32, #tpu.memory_space<hbm>>
      %dma_wait3A_208 = arith.constant 0 : i32
      %dma_wait3A_209 = tpu.memref_slice %arg4[%mul3A_200, %dma_wait3A_208] : memref<819200x128xf32, #tpu.memory_space<hbm>> -> memref<256x64xf32, #tpu.memory_space<hbm>>
      %dma_wait3A_210 = arith.constant 0 : i32
      %dma_wait3A_211 = arith.constant 0 : i32
      %dma_wait3A_212 = tpu.memref_slice %arg6[%dma_wait3A_201, %dma_wait3A_210, %dma_wait3A_211] : memref<2x256x64xf32, #tpu.memory_space<vmem>> -> memref<1x256x64xf32, #tpu.memory_space<vmem>>
      %dma_wait3A_213 = tpu.memref_squeeze %dma_wait3A_212 : memref<1x256x64xf32, #tpu.memory_space<vmem>> -> memref<256x64xf32, #tpu.memory_space<vmem>>
      tpu.wait_dma2 semaphore(%arg8 : memref<!tpu.dma_semaphore, #tpu.memory_space<semaphore_mem>>) src(%dma_wait3A_213 : memref<256x64xf32, #tpu.memory_space<vmem>>) dst(%dma_wait3A_209 : memref<256x64xf32, #tpu.memory_space<hbm>>)
      %lt3A_214 = arith.constant 49 : i32
      %lt3A_215 = arith.cmpi slt, %scan3A_94, %lt3A_214 : i32
      %convert_element_type3A_216 = arith.extui %lt3A_215 : i1 to i32
      %cond3A_217 = arith.constant 0 : i32
      %cond3A_218 = arith.cmpi ne, %convert_element_type3A_216, %cond3A_217 : i32
      scf.if %cond3A_218 {
        %add3A_268 = arith.constant 1 : i32
        %add3A_269 = arith.addi %add3A_194, %add3A_268 : i32
        %mul3A_270 = arith.constant 2 : i32
        %mul3A_271 = arith.muli %add3A_269, %mul3A_270 : i32
        %add3A_272 = arith.addi %mul3A_2, %mul3A_271 : i32
        %dma_wait3A_273 = arith.constant 0 : i32
        %dma_wait3A_274 = arith.constant 0 : i32
        %dma_wait3A_275 = arith.constant 0 : i32
        %dma_wait3A_276 = tpu.memref_slice %arg5[%dma_wait3A_273, %dma_wait3A_274, %dma_wait3A_275] : memref<2x2x128xi32, #tpu.memory_space<vmem>> -> memref<1x2x128xi32, #tpu.memory_space<vmem>>
        %dma_wait3A_277 = tpu.memref_squeeze %dma_wait3A_276 : memref<1x2x128xi32, #tpu.memory_space<vmem>> -> memref<2x128xi32, #tpu.memory_space<vmem>>
        %dma_wait3A_278 = arith.constant 0 : i32
        %dma_wait3A_279 = tpu.memref_slice %arg2[%add3A_272, %dma_wait3A_278] : memref<6400x128xi32, #tpu.memory_space<hbm>> -> memref<2x128xi32, #tpu.memory_space<hbm>>
        %dma_wait3A_280 = arith.constant 0 : i32
        %dma_wait3A_281 = arith.constant 0 : i32
        %dma_wait3A_282 = tpu.memref_slice %arg5[%dma_wait3A_273, %dma_wait3A_280, %dma_wait3A_281] : memref<2x2x128xi32, #tpu.memory_space<vmem>> -> memref<1x2x128xi32, #tpu.memory_space<vmem>>
        %dma_wait3A_283 = tpu.memref_squeeze %dma_wait3A_282 : memref<1x2x128xi32, #tpu.memory_space<vmem>> -> memref<2x128xi32, #tpu.memory_space<vmem>>
        %dma_wait3A_284 = arith.constant 0 : i32
        %dma_wait3A_285 = tpu.memref_slice %arg2[%add3A_272, %dma_wait3A_284] : memref<6400x128xi32, #tpu.memory_space<hbm>> -> memref<2x128xi32, #tpu.memory_space<hbm>>
        tpu.wait_dma2 semaphore(%arg9 : memref<!tpu.dma_semaphore, #tpu.memory_space<semaphore_mem>>) src(%dma_wait3A_285 : memref<2x128xi32, #tpu.memory_space<hbm>>) dst(%dma_wait3A_283 : memref<2x128xi32, #tpu.memory_space<vmem>>)
        %dma_start3A_286 = arith.constant 0 : i32
        %dma_start3A_287 = arith.constant 0 : i32
        %dma_start3A_288 = arith.constant 0 : i32
        %dma_start3A_289 = arith.constant 0 : i32
        %dma_start3A_290 = arith.constant 0 : i32
        %dma_start3A_291 = tpu.memref_slice %arg6[%dma_start3A_288, %dma_start3A_289, %dma_start3A_290] : memref<2x256x64xf32, #tpu.memory_space<vmem>> -> memref<1x128x64xf32, #tpu.memory_space<vmem>>
        %dma_start3A_292 = tpu.memref_squeeze %dma_start3A_291 : memref<1x128x64xf32, #tpu.memory_space<vmem>> -> memref<128x64xf32, #tpu.memory_space<vmem>>
        %dma_start3A_293 = arith.constant 0 : i32
        %dma_start3A_294 = tpu.memref_slice %arg5[%dma_start3A_286, %dma_start3A_287, %dma_start3A_293] : memref<2x2x128xi32, #tpu.memory_space<vmem>> -> memref<1x1x128xi32, #tpu.memory_space<vmem>>
        %dma_start3A_295 = tpu.memref_squeeze %dma_start3A_294 : memref<1x1x128xi32, #tpu.memory_space<vmem>> -> memref<128xi32, #tpu.memory_space<vmem>>
        %dma_start3A_296 = arith.constant 0 : i32
        %dma_start3A_297 = arith.constant 0 : i32
        %dma_start3A_298 = tpu.memref_slice %arg3[%dma_start3A_296, %dma_start3A_297] : memref<1000000x64xf32, #tpu.memory_space<hbm>> -> memref<1000000x64xf32, #tpu.memory_space<hbm>>
        tpu.enqueue_indirect_dma source(%dma_start3A_298 : memref<1000000x64xf32, #tpu.memory_space<hbm>>) target(%dma_start3A_292 : memref<128x64xf32, #tpu.memory_space<vmem>>) offsets(%dma_start3A_295 : memref<128xi32, #tpu.memory_space<vmem>>) semaphore(%arg7 : memref<!tpu.dma_semaphore, #tpu.memory_space<semaphore_mem>>)
        %dma_start3A_299 = arith.constant 0 : i32
        %dma_start3A_300 = arith.constant 1 : i32
        %dma_start3A_301 = arith.constant 0 : i32
        %dma_start3A_302 = arith.constant 128 : i32
        %dma_start3A_303 = arith.constant 0 : i32
        %dma_start3A_304 = tpu.memref_slice %arg6[%dma_start3A_301, %dma_start3A_302, %dma_start3A_303] : memref<2x256x64xf32, #tpu.memory_space<vmem>> -> memref<1x128x64xf32, #tpu.memory_space<vmem>>
        %dma_start3A_305 = tpu.memref_squeeze %dma_start3A_304 : memref<1x128x64xf32, #tpu.memory_space<vmem>> -> memref<128x64xf32, #tpu.memory_space<vmem>>
        %dma_start3A_306 = arith.constant 0 : i32
        %dma_start3A_307 = tpu.memref_slice %arg5[%dma_start3A_299, %dma_start3A_300, %dma_start3A_306] : memref<2x2x128xi32, #tpu.memory_space<vmem>> -> memref<1x1x128xi32, #tpu.memory_space<vmem>>
        %dma_start3A_308 = tpu.memref_squeeze %dma_start3A_307 : memref<1x1x128xi32, #tpu.memory_space<vmem>> -> memref<128xi32, #tpu.memory_space<vmem>>
        %dma_start3A_309 = arith.constant 0 : i32
        %dma_start3A_310 = arith.constant 0 : i32
        %dma_start3A_311 = tpu.memref_slice %arg3[%dma_start3A_309, %dma_start3A_310] : memref<1000000x64xf32, #tpu.memory_space<hbm>> -> memref<1000000x64xf32, #tpu.memory_space<hbm>>
        tpu.enqueue_indirect_dma source(%dma_start3A_311 : memref<1000000x64xf32, #tpu.memory_space<hbm>>) target(%dma_start3A_305 : memref<128x64xf32, #tpu.memory_space<vmem>>) offsets(%dma_start3A_308 : memref<128xi32, #tpu.memory_space<vmem>>) semaphore(%arg7 : memref<!tpu.dma_semaphore, #tpu.memory_space<semaphore_mem>>)
      } else {
      }
      %dma_wait3A_219 = arith.constant 1 : i32
      %dma_wait3A_220 = arith.constant 0 : i32
      %dma_wait3A_221 = arith.constant 1 : i32
      %dma_wait3A_222 = arith.constant 0 : i32
      %dma_wait3A_223 = arith.constant 0 : i32
      %dma_wait3A_224 = tpu.memref_slice %arg6[%dma_wait3A_221, %dma_wait3A_222, %dma_wait3A_223] : memref<2x256x64xf32, #tpu.memory_space<vmem>> -> memref<1x128x64xf32, #tpu.memory_space<vmem>>
      %dma_wait3A_225 = tpu.memref_squeeze %dma_wait3A_224 : memref<1x128x64xf32, #tpu.memory_space<vmem>> -> memref<128x64xf32, #tpu.memory_space<vmem>>
      %dma_wait3A_226 = arith.constant 0 : i32
      %dma_wait3A_227 = tpu.memref_slice %arg5[%dma_wait3A_219, %dma_wait3A_220, %dma_wait3A_226] : memref<2x2x128xi32, #tpu.memory_space<vmem>> -> memref<1x1x128xi32, #tpu.memory_space<vmem>>
      %dma_wait3A_228 = tpu.memref_squeeze %dma_wait3A_227 : memref<1x1x128xi32, #tpu.memory_space<vmem>> -> memref<128xi32, #tpu.memory_space<vmem>>
      %dma_wait3A_229 = arith.constant 0 : i32
      %dma_wait3A_230 = arith.constant 0 : i32
      %dma_wait3A_231 = tpu.memref_slice %arg3[%dma_wait3A_229, %dma_wait3A_230] : memref<1000000x64xf32, #tpu.memory_space<hbm>> -> memref<1000000x64xf32, #tpu.memory_space<hbm>>
      tpu.wait_indirect_dma semaphore(%arg7 : memref<!tpu.dma_semaphore, #tpu.memory_space<semaphore_mem>>) src(%dma_wait3A_231 : memref<1000000x64xf32, #tpu.memory_space<hbm>>) dst(%dma_wait3A_225 : memref<128x64xf32, #tpu.memory_space<vmem>>)
      %dma_wait3A_232 = arith.constant 1 : i32
      %dma_wait3A_233 = arith.constant 1 : i32
      %dma_wait3A_234 = arith.constant 1 : i32
      %dma_wait3A_235 = arith.constant 128 : i32
      %dma_wait3A_236 = arith.constant 0 : i32
      %dma_wait3A_237 = tpu.memref_slice %arg6[%dma_wait3A_234, %dma_wait3A_235, %dma_wait3A_236] : memref<2x256x64xf32, #tpu.memory_space<vmem>> -> memref<1x128x64xf32, #tpu.memory_space<vmem>>
      %dma_wait3A_238 = tpu.memref_squeeze %dma_wait3A_237 : memref<1x128x64xf32, #tpu.memory_space<vmem>> -> memref<128x64xf32, #tpu.memory_space<vmem>>
      %dma_wait3A_239 = arith.constant 0 : i32
      %dma_wait3A_240 = tpu.memref_slice %arg5[%dma_wait3A_232, %dma_wait3A_233, %dma_wait3A_239] : memref<2x2x128xi32, #tpu.memory_space<vmem>> -> memref<1x1x128xi32, #tpu.memory_space<vmem>>
      %dma_wait3A_241 = tpu.memref_squeeze %dma_wait3A_240 : memref<1x1x128xi32, #tpu.memory_space<vmem>> -> memref<128xi32, #tpu.memory_space<vmem>>
      %dma_wait3A_242 = arith.constant 0 : i32
      %dma_wait3A_243 = arith.constant 0 : i32
      %dma_wait3A_244 = tpu.memref_slice %arg3[%dma_wait3A_242, %dma_wait3A_243] : memref<1000000x64xf32, #tpu.memory_space<hbm>> -> memref<1000000x64xf32, #tpu.memory_space<hbm>>
      tpu.wait_indirect_dma semaphore(%arg7 : memref<!tpu.dma_semaphore, #tpu.memory_space<semaphore_mem>>) src(%dma_wait3A_244 : memref<1000000x64xf32, #tpu.memory_space<hbm>>) dst(%dma_wait3A_238 : memref<128x64xf32, #tpu.memory_space<vmem>>)
      %mul3A_245 = arith.constant 2 : i32
      %mul3A_246 = arith.muli %add3A_194, %mul3A_245 : i32
      %add3A_247 = arith.addi %mul3A_2, %mul3A_246 : i32
      %mul3A_248 = arith.constant 128 : i32
      %mul3A_249 = arith.muli %add3A_247, %mul3A_248 : i32
      %dma_start3A_250 = arith.constant 1 : i32
      %dma_start3A_251 = arith.constant 0 : i32
      %dma_start3A_252 = arith.constant 0 : i32
      %dma_start3A_253 = tpu.memref_slice %arg6[%dma_start3A_250, %dma_start3A_251, %dma_start3A_252] : memref<2x256x64xf32, #tpu.memory_space<vmem>> -> memref<1x256x64xf32, #tpu.memory_space<vmem>>
      %dma_start3A_254 = tpu.memref_squeeze %dma_start3A_253 : memref<1x256x64xf32, #tpu.memory_space<vmem>> -> memref<256x64xf32, #tpu.memory_space<vmem>>
      %dma_start3A_255 = arith.constant 0 : i32
      %dma_start3A_256 = tpu.memref_slice %arg4[%mul3A_249, %dma_start3A_255] : memref<819200x128xf32, #tpu.memory_space<hbm>> -> memref<256x64xf32, #tpu.memory_space<hbm>>
      %dma_start3A_257 = arith.constant 0 : i32
      %dma_start3A_258 = tpu.memref_slice %arg4[%mul3A_249, %dma_start3A_257] : memref<819200x128xf32, #tpu.memory_space<hbm>> -> memref<256x64xf32, #tpu.memory_space<hbm>>
      %dma_start3A_259 = arith.constant 0 : i32
      %dma_start3A_260 = arith.constant 0 : i32
      %dma_start3A_261 = tpu.memref_slice %arg6[%dma_start3A_250, %dma_start3A_259, %dma_start3A_260] : memref<2x256x64xf32, #tpu.memory_space<vmem>> -> memref<1x256x64xf32, #tpu.memory_space<vmem>>
      %dma_start3A_262 = tpu.memref_squeeze %dma_start3A_261 : memref<1x256x64xf32, #tpu.memory_space<vmem>> -> memref<256x64xf32, #tpu.memory_space<vmem>>
      tpu.enqueue_dma source(%dma_start3A_262 : memref<256x64xf32, #tpu.memory_space<vmem>>) target(%dma_start3A_258 : memref<256x64xf32, #tpu.memory_space<hbm>>) target_semaphore(%arg8 : memref<!tpu.dma_semaphore, #tpu.memory_space<semaphore_mem>>)
      %lt3A_263 = arith.constant 49 : i32
      %lt3A_264 = arith.cmpi slt, %scan3A_94, %lt3A_263 : i32
      %convert_element_type3A_265 = arith.extui %lt3A_264 : i1 to i32
      %cond3A_266 = arith.constant 0 : i32
      %cond3A_267 = arith.cmpi ne, %convert_element_type3A_265, %cond3A_266 : i32
      scf.if %cond3A_267 {
        %add3A_268 = arith.constant 2 : i32
        %add3A_269 = arith.addi %add3A_194, %add3A_268 : i32
        %mul3A_270 = arith.constant 2 : i32
        %mul3A_271 = arith.muli %add3A_269, %mul3A_270 : i32
        %add3A_272 = arith.addi %mul3A_2, %mul3A_271 : i32
        %dma_start3A_273 = arith.constant 1 : i32
        %dma_start3A_274 = arith.constant 0 : i32
        %dma_start3A_275 = arith.constant 0 : i32
        %dma_start3A_276 = tpu.memref_slice %arg5[%dma_start3A_273, %dma_start3A_274, %dma_start3A_275] : memref<2x2x128xi32, #tpu.memory_space<vmem>> -> memref<1x2x128xi32, #tpu.memory_space<vmem>>
        %dma_start3A_277 = tpu.memref_squeeze %dma_start3A_276 : memref<1x2x128xi32, #tpu.memory_space<vmem>> -> memref<2x128xi32, #tpu.memory_space<vmem>>
        %dma_start3A_278 = arith.constant 0 : i32
        %dma_start3A_279 = tpu.memref_slice %arg2[%add3A_272, %dma_start3A_278] : memref<6400x128xi32, #tpu.memory_space<hbm>> -> memref<2x128xi32, #tpu.memory_space<hbm>>
        %dma_start3A_280 = arith.constant 0 : i32
        %dma_start3A_281 = arith.constant 0 : i32
        %dma_start3A_282 = tpu.memref_slice %arg5[%dma_start3A_273, %dma_start3A_280, %dma_start3A_281] : memref<2x2x128xi32, #tpu.memory_space<vmem>> -> memref<1x2x128xi32, #tpu.memory_space<vmem>>
        %dma_start3A_283 = tpu.memref_squeeze %dma_start3A_282 : memref<1x2x128xi32, #tpu.memory_space<vmem>> -> memref<2x128xi32, #tpu.memory_space<vmem>>
        %dma_start3A_284 = arith.constant 0 : i32
        %dma_start3A_285 = tpu.memref_slice %arg2[%add3A_272, %dma_start3A_284] : memref<6400x128xi32, #tpu.memory_space<hbm>> -> memref<2x128xi32, #tpu.memory_space<hbm>>
        tpu.enqueue_dma source(%dma_start3A_285 : memref<2x128xi32, #tpu.memory_space<hbm>>) target(%dma_start3A_283 : memref<2x128xi32, #tpu.memory_space<vmem>>) target_semaphore(%arg9 : memref<!tpu.dma_semaphore, #tpu.memory_space<semaphore_mem>>)
      } else {
      }
    }
    %scan3A_76 = arith.constant 50 : i32
    %add3A_77 = arith.constant 198 : i32
    %add3A_78 = arith.addi %mul3A_2, %add3A_77 : i32
    %mul3A_79 = arith.constant 128 : i32
    %mul3A_80 = arith.muli %add3A_78, %mul3A_79 : i32
    %dma_wait3A_81 = arith.constant 1 : i32
    %dma_wait3A_82 = arith.constant 0 : i32
    %dma_wait3A_83 = arith.constant 0 : i32
    %dma_wait3A_84 = tpu.memref_slice %arg6[%dma_wait3A_81, %dma_wait3A_82, %dma_wait3A_83] : memref<2x256x64xf32, #tpu.memory_space<vmem>> -> memref<1x256x64xf32, #tpu.memory_space<vmem>>
    %dma_wait3A_85 = tpu.memref_squeeze %dma_wait3A_84 : memref<1x256x64xf32, #tpu.memory_space<vmem>> -> memref<256x64xf32, #tpu.memory_space<vmem>>
    %dma_wait3A_86 = arith.constant 0 : i32
    %dma_wait3A_87 = tpu.memref_slice %arg4[%mul3A_80, %dma_wait3A_86] : memref<819200x128xf32, #tpu.memory_space<hbm>> -> memref<256x64xf32, #tpu.memory_space<hbm>>
    %dma_wait3A_88 = arith.constant 0 : i32
    %dma_wait3A_89 = tpu.memref_slice %arg4[%mul3A_80, %dma_wait3A_88] : memref<819200x128xf32, #tpu.memory_space<hbm>> -> memref<256x64xf32, #tpu.memory_space<hbm>>
    %dma_wait3A_90 = arith.constant 0 : i32
    %dma_wait3A_91 = arith.constant 0 : i32
    %dma_wait3A_92 = tpu.memref_slice %arg6[%dma_wait3A_81, %dma_wait3A_90, %dma_wait3A_91] : memref<2x256x64xf32, #tpu.memory_space<vmem>> -> memref<1x256x64xf32, #tpu.memory_space<vmem>>
    %dma_wait3A_93 = tpu.memref_squeeze %dma_wait3A_92 : memref<1x256x64xf32, #tpu.memory_space<vmem>> -> memref<256x64xf32, #tpu.memory_space<vmem>>
    tpu.wait_dma2 semaphore(%arg8 : memref<!tpu.dma_semaphore, #tpu.memory_space<semaphore_mem>>) src(%dma_wait3A_93 : memref<256x64xf32, #tpu.memory_space<vmem>>) dst(%dma_wait3A_89 : memref<256x64xf32, #tpu.memory_space<hbm>>)
    return
  }
}

</mosaic_0001>

<sc_bundles>
// kernel: kernel.3.cloned.1.call-start
scs
__scs_entry_jumppad:
0x0: {  	(pc) =	sbr.rel $0x88, $3  }
0x1: {  	(tag) =	ssettag $0x0;
	lr =	simm.s32 $0x1  }
0x2: {  	[smem:$0x3F9F] =	sst lr;
	_ =	strace $0xD0000000  }
0x3: {  	_ = 	snop  }
0x4: {  	_ = 	snop  }
0x5: {  	_ = 	snop  }
0x6: {  	_ = 	snop  }
0x7: {  	_ = 	snop  }
__scs_overlays_trampoline_lowered:
0x8: {  	[smem:$0x3FAE] =	sst s0  }
0x9: {  	[smem:$0x3FAF] =	sst s1  }
0xa: {  	[smem:$0x3FB0] =	sst s2  }
0xb: {  	[smem:$0x3FB1] =	sst s3  }
0xc: {  	[smem:$0x3FB2] =	sst s4  }
0xd: {  	[smem:$0x3FB3] =	sst s5  }
0xe: {  	[smem:$0x3FB4] =	sst s6  }
0xf: {  	[smem:$0x3FB5] =	sst s7  }
0x10: {  	[smem:$0x3FB6] =	sst s8  }
0x11: {  	[smem:$0x3FB7] =	sst s9;
	s0 =	simm.s32 @!p0 $0x0  }
0x12: {  	s1 =	sld [smem:$0x3F9D];
	s0 =	simm.s32 @p0 $0x1  }
0x13: {  	[smem:$0x3FB8] =	sst s0;
	s0 =	simm.s32 @!p1 $0x0  }
0x14: {  	s2 =	sld [smem:$0x3F9C];
	s0 =	simm.s32 @p1 $0x1  }
0x15: {  	[smem:$0x3FB9] =	sst s0;
	s0 =	simm.s32 @!p2 $0x0  }
0x16: {  	s3 =	sld [smem:$0x3FDB];
	s0 =	simm.s32 @p2 $0x1  }
0x17: {  	s4 =	simm.s32 $0x1BF5;
	[smem:$0x3FBB] =	sst s0  }
0x18: {  	s0 =	sld [smem:$0x3F9E];
	_ =	swait.ge [sflag:s4], $0x0  }
0x19: {  	s7 =	sld [smem:$0x3F9F]  }
0x1a: {  	s8 =	sadd.s32 $0xFFFFE003, lr  }
0x1b: {  	s9 =	sadd.s32 $0xFFFFFEF7, lr;
	s5 =	simm.s32 $0xFFFFFFFF;
	p2 =	slt.u32 s8, $0xFFFFF086  }
0x1c: {  	p1 =	slt.u32 s9, $0xF7A;
	s5 =	simm.s32 @!p2 $0x0  }
0x1d: {  	s5 =	simm.s32 @p1 $0x1;
	p0 =	seq.s32 s7, s2  }
0x1e: {  	s7 =	smul.u32 @!p0 $0xF7A, s2;
	p2 =	seq.s32 @!p0 s5, $0x0  }
0x1f: {  	s9 =	smul.u32 $0xF7A, s1;
	s8 =	simm.s32 @!p0 $0x1BF5;
	p2 =	por !p2, p0  }
0x20: {  	[sflag:s8] =	ssyncset.s32 @!p0 $0xFFFFF086;
	s6 =	sadd.s32 @!p0 s3, s7;
	s7 =	simm.s32 @!p0 $0x108  }
0x21: {  	s3 =	sadd.s32 s3, s9;
	s6 =	sadd.s32 @!p0 $0x88, s6;
	s7 =	simm.s32 @p2 $0x1082  }
0x22: {  	[simem:s7], [sflag:s8] =	dma.local @!p0 [hbm:s6], $0xF7A  }
0x23: {  	s9 =	sor.u32 $0xD0000000, s2;
	s6 =	simm.s32 $0x108;
	_ =	swait.ge @!p0 [sflag:s8], $0x0  }
0x24: {  	s3 =	sadd.s32 $0x88, s3;
	s6 =	simm.s32 @!p1 $0x1082;
	[sflag:s4] =	ssyncset.s32 $0xFFFFF086  }
0x25: {  	[simem:s6], [sflag:s4] =	dma.local [hbm:s3], $0xF7A  }
0x26: {  	[smem:$0x3F9F] =	sst s1;
	(tag) =	ssettag s2;
	_ =	strace s9  }
0x27: {  	s1 =	sld [smem:$0x3FAF]  }
0x28: {  	s2 =	sld [smem:$0x3FB0]  }
0x29: {  	s4 =	sld [smem:$0x3FB2]  }
0x2a: {  	p0 =	seq.s32 s5, $0x0;
	s5 =	sld [smem:$0x3FB3]  }
0x2b: {  	s6 =	sld [smem:$0x3FB4]  }
0x2c: {  	s7 =	sld [smem:$0x3FB5]  }
0x2d: {  	s3 =	simm.s32 $0x108;
	s8 =	sld [smem:$0x3FB6]  }
0x2e: {  	s3 =	simm.s32 @!p0 $0x1082;
	s9 =	sld [smem:$0x3FB7]  }
0x2f: {  	lr =	sadd.s32 s0, s3;
	s0 =	sld [smem:$0x3FAE]  }
0x30: {  	s3 =	sld [smem:$0x3FB1]  }
0x31: {  	[smem:$0x3FBA] =	sst s10  }
0x32: {  	s10 =	sld [smem:$0x3FB8];
	_ =	sdelay $0x3  }
0x33: {  	p0 =	seq.s32 s10, $0x1;
	s10 =	sld [smem:$0x3FBA];
	_ =	sdelay $0x3  }
0x34: {  	[smem:$0x3FBA] =	sst s10  }
0x35: {  	s10 =	sld [smem:$0x3FB9];
	_ =	sdelay $0x3  }
0x36: {  	p1 =	seq.s32 s10, $0x1;
	s10 =	sld [smem:$0x3FBA];
	_ =	sdelay $0x3  }
0x37: {  	[smem:$0x3FBA] =	sst s10  }
0x38: {  	s10 =	sld [smem:$0x3FBB]  }
0x39: {  	_ = 	snop;
	(pc) =	sbr.ind lr, $3  }
0x3a: {  	_ = 	snop  }
0x3b: {  	_ = 	snop  }
0x3c: {  	p2 =	seq.s32 s10, $0x1;
	s10 =	sld [smem:$0x3FBA]  }
0x3d: {  	_ =	shalt  }
0x3e: {  	_ =	shalt  }
0x3f: {  	_ =	shalt  }
0x40: {  	_ =	shalt  }
0x41: {  	_ =	shalt  }
0x42: {  	_ =	shalt  }
0x43: {  	_ =	shalt  }
0x44: {  	_ =	shalt  }
0x45: {  	_ =	shalt  }
0x46: {  	_ =	shalt  }
0x47: {  	_ =	shalt  }
0x48: {  	_ =	shalt  }
0x49: {  	_ =	shalt  }
0x4a: {  	_ =	shalt  }
0x4b: {  	_ =	shalt  }
0x4c: {  	_ =	shalt  }
0x4d: {  	_ =	shalt  }
0x4e: {  	_ =	shalt  }
0x4f: {  	_ =	shalt  }
0x50: {  	_ =	shalt  }
0x51: {  	_ =	shalt  }
0x52: {  	_ =	shalt  }
0x53: {  	_ =	shalt  }
0x54: {  	_ =	shalt  }
0x55: {  	_ =	shalt  }
0x56: {  	_ =	shalt  }
0x57: {  	_ =	shalt  }
0x58: {  	_ =	shalt  }
0x59: {  	_ =	shalt  }
0x5a: {  	_ =	shalt  }
0x5b: {  	_ =	shalt  }
0x5c: {  	_ =	shalt  }
0x5d: {  	_ =	shalt  }
0x5e: {  	_ =	shalt  }
0x5f: {  	_ =	shalt  }
0x60: {  	_ =	shalt  }
0x61: {  	_ =	shalt  }
0x62: {  	_ =	shalt  }
0x63: {  	_ =	shalt  }
0x64: {  	_ =	shalt  }
0x65: {  	_ =	shalt  }
0x66: {  	_ =	shalt  }
0x67: {  	_ =	shalt  }
0x68: {  	_ =	shalt  }
0x69: {  	_ =	shalt  }
0x6a: {  	_ =	shalt  }
0x6b: {  	_ =	shalt  }
0x6c: {  	_ =	shalt  }
0x6d: {  	_ =	shalt  }
0x6e: {  	_ =	shalt  }
0x6f: {  	_ =	shalt  }
0x70: {  	_ =	shalt  }
0x71: {  	_ =	shalt  }
0x72: {  	_ =	shalt  }
0x73: {  	_ =	shalt  }
0x74: {  	_ =	shalt  }
0x75: {  	_ =	shalt  }
0x76: {  	_ =	shalt  }
0x77: {  	_ =	shalt  }
0x78: {  	_ =	shalt  }
0x79: {  	_ =	shalt  }
0x7a: {  	_ =	shalt  }
0x7b: {  	_ =	shalt  }
0x7c: {  	_ =	shalt  }
0x7d: {  	_ =	shalt  }
0x7e: {  	_ =	shalt  }
0x7f: {  	_ =	shalt  }
0x80: {  	_ =	shalt  }
0x81: {  	_ =	shalt  }
0x82: {  	_ =	shalt  }
0x83: {  	_ =	shalt  }
0x84: {  	_ =	shalt  }
0x85: {  	_ =	shalt  }
0x86: {  	_ =	shalt  }
0x87: {  	_ =	shalt  }
.Lfunc_end0:
.L_simem_size_0:
called_computation.1_lowered:
.L_overlay_start_0:
0x88: {  	s2 =	sld [smem:$0x3FD9]  }
0x89: {  	s3 =	sld [smem:$0x3FFE];
	_ =	sdelay $0x1  }
0x8a: {  	s1 =	srdreg.scid  }
0x8b: {  	s0 =	sand.u32 $0x1, s1  }
0x8c: {  	s17 =	sshll.u32 s0, $0xA;
	s2 =	sadd.s32 s3, s2  }
0x8d: {  	s2 =	sadd.s32 s2, s17  }
0x8e: {  	[smem:$0x3FC6] =	sst s2  }
0x8f: {  	_ = 	snop  }
0x90: {  	s2 =	sld [smem:$0x3FD0];
	(tm) =	ssettm $0x1  }
0x91: {  	s18 =	sld [smem:$0x3FFB];
	_ =	sdelay $0x3  }
0x92: {  	_ =	strace s18  }
0x93: {  	s3 =	sld [smem:$0x3FFC];
	_ =	sdelay $0x3  }
0x94: {  	_ =	strace s3  }
0x95: {  	s3 =	sld [smem:$0x3FFD];
	_ =	sdelay $0x3  }
0x96: {  	_ =	strace s3  }
0x97: {  	_ =	strace $0x8FFFFFFF  }
0x98: {  	s19 =	sld [smem:$0x3FDB];
	_ =	sdelay $0x1  }
0x99: {  	s4 =	simm.s32 $_scs_section_size  }
0x9a: {  	s5 =	simm.s32 $_size__tile_overlayer_lowered;
	s6 =	simm.s32 $_tile_overlayer_lowered  }
0x9b: {  	s22 =	simm.s32 $0x1BFF;
	s21 =	sshll.u32 s6, $0x1;
	s3 =	sadd.s32 s4, s19  }
0x9c: {  	s7 =	simm.s32 $0x0;
	s20 =	sshll.u32 s5, $0x1;
	s5 =	sadd.s32 s21, s3  }
0x9d: {  	[timem:s7], [sflag:s22] =	dma.local [hbm:s5], s20  }
0x9e: {  	_ =	swait.ge [sflag:s22], s20  }
0x9f: {  	s4 =	ssub.s32 $0x0, s20;
	[sflag:s22] =	ssyncset.done $0x0  }
0xa0: {  	[sflag:s22] =	ssyncadd.s32 s4;
	_ =	sdelay $0x1  }
0xa1: {  	s23 =	simm.s32 $0x1B8B  }
0xa2: {  	_ =	swait.ge [sflag:s23], $0x1  }
0xa3: {  	[sflag:s23] =	ssyncset.done $0x0  }
0xa4: {  	s25 =	simm.s32 $0x1B8E;
	s24 =	sld [smem:$0x3FFE];
	[sflag:s23] =	ssyncadd.s32 $0xFFFFFFFF  }
0xa5: {  	s26 =	simm.s32 $execute0_lowered;
	[smem:$0x3FD2] =	sst s25  }
0xa6: {  	s5 =	sshll.u32 s26, $0x1;
	_ =	strace $0x80000046;
	[dreg:$0x1] =	wrdreg $0xFFFFFFFF  }
0xa7: {  	s28 =	simm.s32 $_size_execute0_lowered;
	s3 =	sadd.s32 s3, s5;
	[dreg:$0x0] =	wrdreg $0x0  }
0xa8: {  	s5 =	sshll.u32 s28, $0x1;
	[dreg:$0x2] =	wrdreg s3  }
0xa9: {  	[dreg:$0x3] =	wrdreg s5  }
0xaa: {  	[dreg:$0x4] =	wrdreg $0xC0  }
0xab: {  	_ =	task [dreg:s7], $0x5FFFF  }
0xac: {  	[dreg:$0x1] =	wrdreg $0xFFFFFFFF  }
0xad: {  	[dreg:$0x0] =	wrdreg $0x60  }
0xae: {  	[dreg:$0x2] =	wrdreg s2  }
0xaf: {  	[dreg:$0x3] =	wrdreg s24  }
0xb0: {  	[dreg:$0x4] =	wrdreg $0x9  }
0xb1: {  	_ =	task.clear_ibuf [dreg:s7], $0x5FFFF;
	_ =	strace $0x90000046  }
0xb2: {  	s29 =	simm.s32 $0x9;
	_ =	strace $0x80000048  }
0xb3: {  	_ =	swait.ge [sflag:s29], $0x1  }
0xb4: {  	[sflag:s29] =	ssyncadd.s32 $0xFFFFFFFF  }
0xb5: {  	_ =	strace $0x90000048  }
0xb6: {  	_ =	sfence  }
0xb7: {  	s30 =	sld [smem:$0x0];
	_ =	sdelay $0x2  }
0xb8: {  	s31 =	sshll.u32 s1, $0xD;
	s1 =	sshrl.u32 s1, $0x2  }
0xb9: {  	s3 =	sand.u32 $0x4000, s31;
	s1 =	sadd.s32 s1, s30  }
0xba: {  	s0 =	sor.u32 s3, s0;
	s1 =	sshll.u32 s1, $0x11  }
0xbb: {  	s0 =	sor.u32 s1, s0  }
0xbc: {  	s0 =	sadd.s32 $0x8F2B, s0  }
0xbd: {  	[sflag:s0] =	ssyncadd.remote.s32 $0x1  }
0xbe: {  	_ =	sfence.sel $0xFFFF  }
0xbf: {  	[dreg:$0x0] =	wrdreg $0xFFFFFFFF;
	(pc) =	sbr.abs _section_cstart, $3  }
0xc0: {  	[dreg:$0x1] =	wrdreg $0xFFFFFFFF  }
0xc1: {  	_ =	task.clear_ibuf [dreg:s7], $0x2FFFF;
	_ =	strace $0x9FFFFFFF  }
0xc2: {  	(tm) =	ssettm $0x7FFFFFFF  }
0xc3: {  	_ =	shalt  }
tec
execute0_lowered:
.L_overlay_start_1:
0x0: {  	(tag) =	ssettag $0x1  }
0x1: {  	s12 =	rddreg [dreg:$0x0]  }
0x2: {  	s4 =	rddreg [dreg:$0x1]  }
0x3: {  	s2 =	simm.s32 $0x0;
	s3 =	srdreg.scid;
	s0 =	stileid.u32  }
0x4: {  	s18 =	simm.s32 $0x200;
	s19 =	simm.s32 $0x2200;
	s20 =	simm.s32 $0x4200  }
0x5: {  	s21 =	simm.s32 $0x180;
	s22 =	simm.s32 $0x6200;
	s23 =	simm.s32 $0x1  }
0x6: {  	s24 =	simm.s32 $0x40;
	s25 =	simm.s32 $0x2;
	s11 =	smul.u32 $0x640000, s0  }
0x7: {  	[smem:$0x7FF] =	sst s2;
	s8 =	sand.u32 $0x1, s3;
	s15 =	smul.u32 $0x190, s0  }
0x8: {  	s26 =	sshll.u32 s0, $0x1;
	s3 =	sadd.s32 $0xF42E00, s4;
	s14 =	smul.u32 $0x320000, s8  }
0x9: {  	s13 =	sadd.s32 $0xA00, s4;
	s5 =	sor.u32 s8, s26;
	s17 =	smul.u32 $0xC8, s8  }
0xa: {  	_ =	strace $0x80000047;
	s6 =	ssub.s32 $0x2, s8;
	s7 =	smul.u32 $0xC80, s5  }
0xb: {  	s26 =	simm.s32 $0x0;
	s28 =	sshrl.u32 s6, $0x1;
	s9 =	smul.u32 $0xC8, s5  }
0xc: {  	s29 =	smul.u32 $0x320000, s5;
	s6 =	ssub.s32 s6, s28;
	s11 =	sadd.s32 s14, s11  }
0xd: {  	s31 =	sadd.s32 s17, s15;
	s17 =	simm.s32 $0x80;
	s4 =	sadd.s32 s12, s7  }
0xe: {  	s10 =	sshll.u32 s9, $0xB;
	s9 =	sshll.u32 s9, $0x4;
	s7 =	sshrl.u32 s29, $0x3  }
0xf: {  	s6 =	smax.u32 s6, $0x1;
	s11 =	sor.u32 $0x10000, s11;
	s15 =	sshll.u32 s31, $0x4  }
0x10: {  	s14 =	sshll.u32 s31, $0xB;
	s5 =	sadd.s32 $0x20, s4;
	s7 =	sadd.s32 s13, s7  }
.Ltmp0:
0x11: {  	s16 =	sadd.s32 s9, s12;
	s30 =	sadd.s32 s10, s13;
	(pc) =	sbr.rel .LBB2_1-.Ltmp0, $4  }
0x12: {  	s11 =	sshrl.u32 s11, $0x3;
	s15 =	sadd.s32 s12, s15;
	s14 =	sadd.s32 s14, s13  }
0x13: {  	s8 =	sadd.s32 $0x40, s16;
	s9 =	sadd.s32 $0x1000, s30;
	s10 =	sadd.s32 $0x60, s16  }
0x14: {  	s11 =	sadd.s32 s11, s13;
	s12 =	sadd.s32 $0xA0, s15;
	s13 =	sadd.s32 $0x80, s15  }
0x15: {  	s14 =	sadd.s32 $0x3000, s14;
	s15 =	simm.s32 $0x3;
	s16 =	simm.s32 $0x100  }
.LBB2_4:
0x16: {  	s26 =	sadd.s32 $0x1, s26  }
0x17: {  	p0 =	sne.s32 s26, s6  }
.Ltmp1:
0x18: {  	_ = 	snop;
	(pc) =	sbr.rel @!p0 .LBB2_5-.Ltmp1, $4  }
0x19: {  	_ = 	snop  }
0x1a: {  	_ =	swait.ge [sflag:s25], $0x4000  }
0x1b: {  	[sflag:s25] =	ssyncset.done $0x0  }
0x1c: {  	[sflag:s25] =	ssyncadd.s32 $0xFFFFC000  }
.LBB2_1:
0x1d: {  	[tilespmem:s2], [sflag:$0x3] =	stream.linear.gather [hbm4b:s4+s2], $0x100, $0x38;
	[tilespmem:$0x8200] =	vst v63  }
0x1e: {  	_ =	swait.ge [sflag:s15], $0x100  }
0x1f: {  	[sflag:s15] =	ssyncset.done $0x0  }
0x20: {  	[sflag:s15] =	ssyncadd.s32 $0xFFFFFF00  }
0x21: {  	[tilespmem:s16], [sflag:$0x3] =	stream.linear.gather [hbm4b:s5+s2], $0x100, $0x38;
	[tilespmem:$0x8200] =	vst v63  }
0x22: {  	_ = 	snop  }
0x23: {  	[tilespmem:s18], [sflag:$0x1] =	stream.indirect.gather [hbm4b:s3+s17], $0x40, s2, s17, $0xb8;
	[tilespmem:$0x8200] =	vst v63  }
0x24: {  	_ = 	snop  }
0x25: {  	[tilespmem:s19], [sflag:$0x1] =	stream.indirect.gather [hbm4b:s3+s17], $0x40, s17, s17, $0xb8;
	[tilespmem:$0x8200] =	vst v63  }
0x26: {  	_ =	swait.ge [sflag:s15], $0x100  }
0x27: {  	[sflag:s15] =	ssyncset.done $0x0  }
0x28: {  	[sflag:s15] =	ssyncadd.s32 $0xFFFFFF00  }
0x29: {  	[tilespmem:s20], [sflag:$0x1] =	stream.indirect.gather [hbm4b:s3+s17], $0x40, s16, s17, $0xb8;
	[tilespmem:$0x8200] =	vst v63  }
0x2a: {  	_ = 	snop  }
0x2b: {  	[tilespmem:s22], [sflag:$0x1] =	stream.indirect.gather [hbm4b:s3+s17], $0x40, s21, s17, $0xb8;
	[tilespmem:$0x8200] =	vst v63  }
0x2c: {  	_ =	swait.ge [sflag:s23], $0x2000  }
0x2d: {  	[sflag:s23] =	ssyncset.done $0x0  }
0x2e: {  	[sflag:s23] =	ssyncadd.s32 $0xFFFFE000  }
0x2f: {  	_ =	swait.ge [sflag:s23], $0x2000  }
0x30: {  	[sflag:s23] =	ssyncset.done $0x0  }
0x31: {  	[sflag:s23] =	ssyncadd.s32 $0xFFFFE000  }
0x32: {  	[hbm4b:s7+s24] =	stream.strided.scatter [tilespmem:s18], [sflag:$0x2], $0x4000, s17, s24, $0x38;
	[tilespmem:$0x8200] =	vst v63  }
0x33: {  	_ = 	snop  }
0x34: {  	[tilespmem:s2], [sflag:$0x3] =	stream.linear.gather [hbm4b:s8+s2], $0x100, $0x38;
	[tilespmem:$0x8200] =	vst v63  }
0x35: {  	_ =	swait.ge [sflag:s25], $0x4000  }
0x36: {  	[sflag:s25] =	ssyncset.done $0x0  }
0x37: {  	[sflag:s25] =	ssyncadd.s32 $0xFFFFC000  }
0x38: {  	_ =	swait.ge [sflag:s15], $0x100  }
0x39: {  	[sflag:s15] =	ssyncset.done $0x0  }
0x3a: {  	[sflag:s15] =	ssyncadd.s32 $0xFFFFFF00  }
0x3b: {  	[tilespmem:s18], [sflag:$0x1] =	stream.indirect.gather [hbm4b:s3+s17], $0x40, s2, s17, $0xb8;
	[tilespmem:$0x8200] =	vst v63  }
0x3c: {  	_ = 	snop  }
0x3d: {  	[tilespmem:s19], [sflag:$0x1] =	stream.indirect.gather [hbm4b:s3+s17], $0x40, s17, s17, $0xb8;
	[tilespmem:$0x8200] =	vst v63  }
0x3e: {  	_ =	swait.ge [sflag:s23], $0x2000  }
0x3f: {  	[sflag:s23] =	ssyncset.done $0x0  }
0x40: {  	[sflag:s23] =	ssyncadd.s32 $0xFFFFE000  }
0x41: {  	_ =	swait.ge [sflag:s23], $0x2000  }
0x42: {  	[sflag:s23] =	ssyncset.done $0x0  }
0x43: {  	[sflag:s23] =	ssyncadd.s32 $0xFFFFE000  }
0x44: {  	[hbm4b:s9+s24] =	stream.strided.scatter [tilespmem:s20], [sflag:$0x2], $0x4000, s17, s24, $0x38;
	[tilespmem:$0x8200] =	vst v63  }
0x45: {  	s28 =	smov.u32 s14;
	s29 =	simm.s32 $0x0;
	s30 =	smov.u32 s11  }
0x46: {  	[tilespmem:s16], [sflag:$0x3] =	stream.linear.gather [hbm4b:s10+s2], $0x100, $0x38;
	[tilespmem:$0x8200] =	vst v63  }
.LBB2_2:
0x47: {  	_ =	swait.ge [sflag:s25], $0x4000  }
0x48: {  	[sflag:s25] =	ssyncset.done $0x0  }
0x49: {  	[sflag:s25] =	ssyncadd.s32 $0xFFFFC000  }
0x4a: {  	_ =	swait.ge [sflag:s15], $0x100  }
0x4b: {  	[sflag:s15] =	ssyncset.done $0x0  }
0x4c: {  	[sflag:s15] =	ssyncadd.s32 $0xFFFFFF00  }
0x4d: {  	[tilespmem:s20], [sflag:$0x1] =	stream.indirect.gather [hbm4b:s3+s17], $0x40, s16, s17, $0xb8;
	[tilespmem:$0x8200] =	vst v63  }
0x4e: {  	_ = 	snop  }
0x4f: {  	[tilespmem:s22], [sflag:$0x1] =	stream.indirect.gather [hbm4b:s3+s17], $0x40, s21, s17, $0xb8;
	[tilespmem:$0x8200] =	vst v63  }
0x50: {  	_ =	swait.ge [sflag:s23], $0x2000  }
0x51: {  	[sflag:s23] =	ssyncset.done $0x0  }
0x52: {  	[sflag:s23] =	ssyncadd.s32 $0xFFFFE000  }
0x53: {  	_ =	swait.ge [sflag:s23], $0x2000  }
0x54: {  	p0 =	seq.s32 s29, $0xC00;
	[sflag:s23] =	ssyncset.done $0x0  }
0x55: {  	s31 =	simm.s32 @p0 $0x2;
	[sflag:s23] =	ssyncadd.s32 $0xFFFFE000  }
0x56: {  	[hbm4b:s30+s24] =	stream.strided.scatter [tilespmem:s18], [sflag:$0x2], $0x4000, s17, s24, $0x38;
	[tilespmem:$0x8200] =	vst v63  }
0x57: {  	_ =	swait.ge @p0 [sflag:s31], $0x4000  }
0x58: {  	[sflag:s31] =	ssyncset.done @p0 $0x0  }
0x59: {  	s0 =	simm.s32 @!p0 $0x0;
	[sflag:s31] =	ssyncadd.s32 @p0 $0xFFFFC000;
	s31 =	sadd.s32 @!p0 s29, s13  }
0x5a: {  	[tilespmem:s0], [sflag:$0x3] =	stream.linear.gather @!p0 [hbm4b:s31+s0], $0x100, $0x38;
	[tilespmem:$0x8200] =	vst v63  }
0x5b: {  	s31 =	simm.s32 @!p0 $0x2  }
0x5c: {  	_ =	swait.ge @!p0 [sflag:s31], $0x4000  }
0x5d: {  	[sflag:s31] =	ssyncset.done @!p0 $0x0  }
0x5e: {  	[sflag:s31] =	ssyncadd.s32 @!p0 $0xFFFFC000;
	s31 =	simm.s32 @!p0 $0x3  }
0x5f: {  	_ =	swait.ge @!p0 [sflag:s31], $0x100  }
0x60: {  	[sflag:s31] =	ssyncset.done @!p0 $0x0  }
0x61: {  	s1 =	simm.s32 @!p0 $0x200;
	[sflag:s31] =	ssyncadd.s32 @!p0 $0xFFFFFF00;
	s31 =	simm.s32 @!p0 $0x80  }
0x62: {  	[tilespmem:s1], [sflag:$0x1] =	stream.indirect.gather @!p0 [hbm4b:s3+s31], $0x40, s0, s31, $0xb8;
	[tilespmem:$0x8200] =	vst v63  }
0x63: {  	s0 =	simm.s32 @!p0 $0x2200  }
0x64: {  	[tilespmem:s0], [sflag:$0x1] =	stream.indirect.gather @!p0 [hbm4b:s3+s31], $0x40, s31, s31, $0xb8;
	[tilespmem:$0x8200] =	vst v63  }
0x65: {  	_ =	swait.ge [sflag:s23], $0x2000  }
0x66: {  	[sflag:s23] =	ssyncset.done $0x0  }
.Ltmp2:
0x67: {  	[sflag:s23] =	ssyncadd.s32 $0xFFFFE000;
	(pc) =	sbr.rel @p0 .LBB2_4-.Ltmp2, $4  }
0x68: {  	_ =	swait.ge [sflag:s23], $0x2000  }
0x69: {  	[sflag:s23] =	ssyncset.done $0x0  }
0x6a: {  	[sflag:s23] =	ssyncadd.s32 $0xFFFFE000  }
0x6b: {  	[hbm4b:s28+s24] =	stream.strided.scatter [tilespmem:s20], [sflag:$0x2], $0x4000, s17, s24, $0x38;
	[tilespmem:$0x8200] =	vst v63  }
.Ltmp3:
0x6c: {  	(pc) =	sbr.rel .LBB2_2-.Ltmp3, $4  }
0x6d: {  	_ = 	snop  }
0x6e: {  	s0 =	sadd.s32 s29, s12  }
0x6f: {  	s30 =	sadd.s32 $0x2000, s30;
	s29 =	sadd.s32 $0x40, s29;
	s28 =	sadd.s32 $0x2000, s28  }
0x70: {  	[tilespmem:s16], [sflag:$0x3] =	stream.linear.gather [hbm4b:s0+s2], $0x100, $0x38;
	[tilespmem:$0x8200] =	vst v63  }
.LBB2_5:
0x71: {  	_ =	sfence.sel $0x180000  }
0x72: {  	[bflag:$0x0] =	sbarrier.arrive $0xFFFF  }
0x73: {  	_ =	strace $0x90000047  }
0x74: {  	s0 =	stileid.u32;
	[bflag:$0x2] =	sbarrier.arrive $0xFFFF  }
0x75: {  	p0 =	sne.s32 s0, $0x0;
	s0 =	rddreg [dreg:$0x2]  }
0x76: {  	s0 =	sadd.s32 @!p0 $0x100000, s0  }
0x77: {  	[sflag:s0] =	ssyncadd.tile.s32 @!p0 $0x1;
	_ =	shalt  }
.Lfunc_end2:
_tile_overlayer_lowered:
.L_overlay_start_2:
0x78: {  	(tag) =	ssettag $0x2  }
0x79: {  	s0 =	rddreg [dreg:$0x0];
	s2 =	stileid.u32  }
0x7a: {  	s1 =	rddreg [dreg:$0x1];
	p0 =	sne.s32 s2, $0x0  }
0x7b: {  	s3 =	rddreg [dreg:$0x2];
	[bflag:$0x3] =	sbarrier.arrive $0xFFFF;
	s2 =	simm.s32 @!p0 $0x1C04  }
0x7c: {  	[timem:s3], [sflag:s2] =	dma.local @!p0 [hbm:s0], s1  }
0x7d: {  	s0 =	simm.s32 @!p0 $0x4  }
0x7e: {  	_ =	swait.ge @!p0 [sflag:s0], s1  }
0x7f: {  	s1 =	ssub.s32 @!p0 $0x0, s1;
	[sflag:s0] =	ssyncset.done @!p0 $0x0  }
0x80: {  	[sflag:s0] =	ssyncadd.s32 @!p0 s1  }
0x81: {  	[bflag:$0x3] =	sbarrier.arrive $0xFFFF  }
0x82: {  	_ =	shalt  }

// kernel: sparse-core-data-format-call.cloned.1.call-start
scs
called_computation_lowered:
.L_overlay_start_0:
0x0: {  	s2 =	sld [smem:$0x3FD9]  }
0x1: {  	s3 =	sld [smem:$0x3FFE];
	_ =	sdelay $0x1  }
0x2: {  	s1 =	srdreg.scid  }
0x3: {  	s0 =	sand.u32 $0x1, s1  }
0x4: {  	s18 =	sshll.u32 s0, $0xA;
	s2 =	sadd.s32 s3, s2  }
0x5: {  	s2 =	sadd.s32 s2, s18  }
0x6: {  	[smem:$0x3FC6] =	sst s2  }
0x7: {  	_ = 	snop  }
0x8: {  	s2 =	sld [smem:$0x3FD0];
	(tm) =	ssettm $0x1  }
0x9: {  	s19 =	sld [smem:$0x3FFB];
	_ =	sdelay $0x3  }
0xa: {  	_ =	strace s19  }
0xb: {  	s3 =	sld [smem:$0x3FFC];
	_ =	sdelay $0x3  }
0xc: {  	_ =	strace s3  }
0xd: {  	s3 =	sld [smem:$0x3FFD];
	_ =	sdelay $0x3  }
0xe: {  	_ =	strace s3  }
0xf: {  	_ =	strace $0x8FFFFFFF  }
0x10: {  	s20 =	sld [smem:$0x3FDB];
	_ =	sdelay $0x1  }
0x11: {  	s4 =	simm.s32 $_scs_section_size  }
0x12: {  	s5 =	simm.s32 $_size__tile_overlayer_lowered;
	s6 =	simm.s32 $_tile_overlayer_lowered  }
0x13: {  	s23 =	simm.s32 $0x1BFF;
	s22 =	sshll.u32 s6, $0x1;
	s3 =	sadd.s32 s4, s20  }
0x14: {  	s7 =	simm.s32 $0x0;
	s21 =	sshll.u32 s5, $0x1;
	s5 =	sadd.s32 s22, s3  }
0x15: {  	[timem:s7], [sflag:s23] =	dma.local [hbm:s5], s21  }
0x16: {  	_ =	swait.ge [sflag:s23], s21  }
0x17: {  	s4 =	ssub.s32 $0x0, s21;
	[sflag:s23] =	ssyncset.done $0x0  }
0x18: {  	[sflag:s23] =	ssyncadd.s32 s4;
	_ =	sdelay $0x1  }
0x19: {  	s24 =	simm.s32 $0x1B8B  }
0x1a: {  	_ =	swait.ge [sflag:s24], $0x1  }
0x1b: {  	[sflag:s24] =	ssyncset.done $0x0  }
0x1c: {  	s26 =	simm.s32 $0x1B8E;
	s25 =	sld [smem:$0x3FFE];
	[sflag:s24] =	ssyncadd.s32 $0xFFFFFFFF  }
0x1d: {  	s27 =	simm.s32 $execute0_lowered;
	[smem:$0x3FD2] =	sst s26  }
0x1e: {  	s5 =	sshll.u32 s27, $0x1;
	_ =	strace $0x80000049;
	[dreg:$0x1] =	wrdreg $0xFFFFFFFF  }
0x1f: {  	s28 =	simm.s32 $_size_execute0_lowered;
	s3 =	sadd.s32 s3, s5;
	[dreg:$0x0] =	wrdreg $0x0  }
0x20: {  	s5 =	sshll.u32 s28, $0x1;
	[dreg:$0x2] =	wrdreg s3  }
0x21: {  	[dreg:$0x3] =	wrdreg s5  }
0x22: {  	[dreg:$0x4] =	wrdreg $0xC0  }
0x23: {  	_ =	task [dreg:s7], $0x5FFFF  }
0x24: {  	[dreg:$0x1] =	wrdreg $0xFFFFFFFF  }
0x25: {  	[dreg:$0x0] =	wrdreg $0x60  }
0x26: {  	[dreg:$0x2] =	wrdreg s25  }
0x27: {  	[dreg:$0x3] =	wrdreg s2  }
0x28: {  	[dreg:$0x4] =	wrdreg $0x9  }
0x29: {  	_ =	task.clear_ibuf [dreg:s7], $0x5FFFF;
	_ =	strace $0x90000049  }
0x2a: {  	s29 =	simm.s32 $0x9;
	_ =	strace $0x8000004B  }
0x2b: {  	_ =	swait.ge [sflag:s29], $0x1  }
0x2c: {  	[sflag:s29] =	ssyncadd.s32 $0xFFFFFFFF  }
0x2d: {  	_ =	strace $0x9000004B  }
0x2e: {  	_ =	sfence  }
0x2f: {  	s30 =	sld [smem:$0x0];
	_ =	sdelay $0x2  }
0x30: {  	s31 =	sshll.u32 s1, $0xD;
	s1 =	sshrl.u32 s1, $0x2  }
0x31: {  	s3 =	sand.u32 $0x4000, s31;
	s1 =	sadd.s32 s1, s30  }
0x32: {  	s0 =	sor.u32 s3, s0;
	s1 =	sshll.u32 s1, $0x11  }
0x33: {  	s0 =	sor.u32 s1, s0  }
0x34: {  	s0 =	sadd.s32 $0x8F2B, s0  }
0x35: {  	[sflag:s0] =	ssyncadd.remote.s32 $0x1  }
0x36: {  	_ =	sfence.sel $0xFFFF  }
0x37: {  	[dreg:$0x0] =	wrdreg $0xFFFFFFFF;
	(pc) =	sbr.abs _section_cstart, $3  }
0x38: {  	[dreg:$0x1] =	wrdreg $0xFFFFFFFF  }
0x39: {  	_ =	task.clear_ibuf [dreg:s7], $0x2FFFF;
	_ =	strace $0x9FFFFFFF  }
0x3a: {  	(tm) =	ssettm $0x7FFFFFFF  }
0x3b: {  	_ =	shalt  }
tec
execute0_lowered:
.L_overlay_start_1:
0x0: {  	(tag) =	ssettag $0x1  }
0x1: {  	s0 =	srdreg.scid  }
0x2: {  	s1 =	sshll.u32 s0, $0x4  }
0x3: {  	s0 =	stileid.u32;
	s1 =	sand.u32 $0x10, s1  }
0x4: {  	s1 =	sor.u32 s0, s1  }
0x5: {  	s6 =	rddreg [dreg:$0x0];
	s4 =	simm.s32 $0x1;
	s2 =	sshll.u32 s1, $0x7  }
0x6: {  	s7 =	simm.s32 $0x2;
	s12 =	simm.s32 $0x0;
	s1 =	ssub.s32 $0x1000, s2  }
0x7: {  	s8 =	simm.s32 $0x8000;
	s13 =	simm.s32 $0x0;
	s3 =	sand.u32 $0xF80, s1  }
0x8: {  	s9 =	simm.s32 $0x0;
	s5 =	sshrl.u32 s1, $0xC;
	p0 =	sne.s32 s3, $0x0  }
.Ltmp0:
0x9: {  	s1 =	rddreg [dreg:$0x2];
	s4 =	simm.s32 @!p0 $0x0;
	(pc) =	sbr.rel .LBB1_1-.Ltmp0, $4  }
0xa: {  	s11 =	simm.s32 $0x0;
	s3 =	rddreg [dreg:$0x1];
	s5 =	sadd.s32 s4, s5  }
0xb: {  	_ =	strace $0x8000004A;
	s4 =	simm.s32 $0x1;
	s5 =	smul.u32 $0xC8, s5  }
0xc: {  	s6 =	sadd.s32 $0xA00, s6;
	s10 =	smov.u32 s2;
	[sflag:s4] =	ssyncpa.u1 $0x0  }
0xd: {  	p0 =	por $0x0, $0x0;
	[sflag:s7] =	ssyncpa.u1 $0x0;
	s7 =	sor.u32 $0x1, s5  }
.LBB1_4:
0xe: {  	s16 =	sshll.u32 s13, $0x3;
	s17 =	sand.u32 $0x78, s13  }
0xf: {  	s30 =	sand.u32 $0x7E00, s13;
	s12 =	sshll.u32 s12, $0xF;
	s16 =	sand.u32 $0xC00, s16  }
0x10: {  	[tilespmem:s15+$0x810 ss:$0x81] =	vst.msk $0xffff, v2;
	s31 =	sand.u32 $0x7, s13;
	s16 =	sor.u32 s17, s16;
	s17 =	sadd.s32 s3, s30  }
0x11: {  	[tilespmem:s15+$0x1020 ss:$0x81] =	vst.msk $0xffff, v0;
	s13 =	sshll.u32 s31, $0x12;
	s12 =	sadd.s32 s12, s17;
	s16 =	sshrl.u32 s16, $0x3  }
0x12: {  	[tilespmem:s15+$0x0 ss:$0x81] =	vst.msk $0xffff, v1;
	s13 =	sor.u32 $0x400, s13;
	s12 =	sadd.s32 s16, s12  }
0x13: {  	[hbm4b:s12+s13] =	stream.strided.scatter [tilespmem:s14], [sflag:$0x2], $0x2000, s8, s13, $0x20;
	[tilespmem:$0x8080] =	vst v63  }
.LBB1_5:
0x14: {  	s14 =	sadd.s32 $0x1, s9  }
0x15: {  	s12 =	sadd.s32 $0x1000, s10;
	s16 =	smov.u32 s10;
	p2 =	sgt.s32 s14, $0xC7  }
0x16: {  	s16 =	smov.u32 @p2 s12  }
0x17: {  	s14 =	simm.s32 @p2 $0x0;
	p2 =	sgt.s32 s16, $0xFFF  }
0x18: {  	s16 =	smov.u32 @p2 s2;
	p2 =	sne.s32 s11, s7  }
.Ltmp1:
0x19: {  	p1 =	slt.u32 s11, $0x2;
	(pc) =	sbr.rel @!p2 .LBB1_6-.Ltmp1, $4  }
0x1a: {  	s15 =	simm.s32 @!p1 $0x2  }
0x1b: {  	s13 =	smov.u32 s10;
	p0 =	por !p0, !p0;
	_ =	swait.ge @!p1 [sflag:s15], $0x2000  }
0x1c: {  	s12 =	smov.u32 s9;
	[sflag:s15] =	ssyncset.done @!p1 $0x0;
	s9 =	smov.u32 s14  }
0x1d: {  	s11 =	sadd.s32 $0x1, s11;
	[sflag:s15] =	ssyncadd.s32 @!p1 $0xFFFFE000;
	s10 =	smov.u32 s16  }
.LBB1_1:
0x1e: {  	p1 =	sge.u32 s11, s5  }
0x1f: {  	s14 =	sand.u32 @!p1 $0x1FFFFFF, s9  }
0x20: {  	s15 =	smulhi.u32 @!p1 $0x147AE15, s14;
	_ =	sdelay $0x1  }
0x21: {  	s15 =	smul.u32 @!p1 $0xC8, s15  }
0x22: {  	s16 =	sxor.u32 @!p1 $0xFFFFFFFF, s11;
	s17 =	smul.u32 @!p1 $0xC80, s10  }
0x23: {  	s31 =	sadd.s32 $0xFFFFFFFF, s11;
	s16 =	sshll.u32 @!p1 s16, $0xD;
	s14 =	ssub.s32 @!p1 s14, s15  }
0x24: {  	s15 =	sand.u32 @!p1 $0x2000, s16;
	s16 =	sadd.s32 @!p1 s6, s17;
	s14 =	sshll.u32 @!p1 s14, $0x4  }
0x25: {  	s17 =	simm.s32 @!p1 $0x6400;
	s14 =	sadd.s32 @!p1 s14, s16;
	s16 =	simm.s32 @!p1 $0x40  }
0x26: {  	[tilespmem:s15], [sflag:$0x1] =	stream.strided.gather @!p1 [hbm4b:s14+s16], $0x2000, s17, s16, $0x38;
	[tilespmem:$0x8080] =	vst v63  }
0x27: {  	p1 =	sge.u32 s31, s5  }
.Ltmp2:
0x28: {  	_ = 	snop;
	(pc) =	sbr.rel @p1 .LBB1_5-.Ltmp2, $1  }
0x29: {  	_ =	sdelay $0x3  }
0x2a: {  	s14 =	simm.s32 $0x1  }
0x2b: {  	_ =	swait.ge [sflag:s4], $0x2000;
	s14 =	simm.s32 @!p0 $0x0  }
0x2c: {  	[sflag:s4] =	ssyncset.done $0x0;
	s15 =	sshll.u32 s14, $0xD  }
0x2d: {  	[sflag:s4] =	ssyncadd.s32 $0xFFFFE000;
	s18 =	sor.u32 $0x20, s15  }
0x2e: {  	s14 =	smul.u32 $0x8100, s14;
	v3 =	vld [tilespmem:s18+$0x10]  }
0x2f: {  	s30 =	sand.u32 $0x1, s11;
	v2 =	vld [tilespmem:s18+$0xFFFFFFF0]  }
0x30: {  	s15 =	smul.u32 $0x8100, s30;
	s14 =	sshrl.u32 s14, $0x2;
	v0 =	vld [tilespmem:s18+$0x0]  }
0x31: {  	v1 =	vld [tilespmem:s18+$0xFFFFFFE0];
	s16 =	sor.u32 $0x4000, s14  }
0x32: {  	s31 =	sshrl.u32 s15, $0x2;
	s15 =	sadd.s32 $0x0, s16  }
0x33: {  	s17 =	simm.s32 $0x4;
	s18 =	sadd.s32 $0x40, s18;
	s14 =	sor.u32 $0x4000, s31;
	[tilespmem:s15+$0x1830 ss:$0x81] =	vst.msk $0xffff, v3  }
.LBB1_3:
0x34: {  	v3 =	vld [tilespmem:s18+$0x10];
	p1 =	sne.s32 s17, $0x1FC;
	[tilespmem:s15+$0x810 ss:$0x81] =	vst.msk $0xffff, v2;
	s19 =	smov.u32 s17;
	s17 =	sadd.s32 $0x4, s17  }
.Ltmp3:
0x35: {  	v2 =	vld [tilespmem:s18+$0xFFFFFFF0];
	[tilespmem:s15+$0x1020 ss:$0x81] =	vst.msk $0xffff, v0;
	(pc) =	sbr.rel @p1 .LBB1_3-.Ltmp3, $4  }
0x36: {  	v0 =	vld [tilespmem:s18+$0x0];
	[tilespmem:s15+$0x0 ss:$0x81] =	vst.msk $0xffff, v1  }
0x37: {  	s15 =	sshra.s32 s19, $0x2;
	v1 =	vld [tilespmem:s18+$0xFFFFFFE0]  }
0x38: {  	s15 =	sadd.s32 s15, s16  }
0x39: {  	s18 =	sadd.s32 $0x40, s18;
	[tilespmem:s15+$0x1830 ss:$0x81] =	vst.msk $0xffff, v3  }
.Ltmp4:
0x3a: {  	_ = 	snop;
	(pc) =	sbr.rel .LBB1_4-.Ltmp4, $1  }
0x3b: {  	_ =	sdelay $0x3  }
.LBB1_6:
0x3c: {  	_ =	sfence.sel $0x180000  }
0x3d: {  	s2 =	simm.s32 $0x1;
	[bflag:$0x0] =	sbarrier.arrive $0xFFFF  }
0x3e: {  	s31 =	simm.s32 $0x2;
	[sflag:s2] =	ssyncpa.u1 $0x1  }
0x3f: {  	[sflag:s31] =	ssyncpa.u1 $0x1  }
0x40: {  	p0 =	sne.s32 s0, $0x0;
	_ =	strace $0x9000004A  }
0x41: {  	s0 =	sadd.s32 @!p0 $0x100000, s1;
	[bflag:$0x2] =	sbarrier.arrive $0xFFFF  }
0x42: {  	[sflag:s0] =	ssyncadd.tile.s32 @!p0 $0x1;
	_ =	shalt  }
.Lfunc_end1:
_tile_overlayer_lowered:
.L_overlay_start_2:
0x43: {  	(tag) =	ssettag $0x2  }
0x44: {  	s0 =	rddreg [dreg:$0x0];
	s2 =	stileid.u32  }
0x45: {  	s1 =	rddreg [dreg:$0x1];
	p0 =	sne.s32 s2, $0x0  }
0x46: {  	s3 =	rddreg [dreg:$0x2];
	[bflag:$0x3] =	sbarrier.arrive $0xFFFF;
	s2 =	simm.s32 @!p0 $0x1C01  }
0x47: {  	[timem:s3], [sflag:s2] =	dma.local @!p0 [hbm:s0], s1  }
0x48: {  	s0 =	simm.s32 @!p0 $0x1  }
0x49: {  	_ =	swait.ge @!p0 [sflag:s0], s1  }
0x4a: {  	s1 =	ssub.s32 @!p0 $0x0, s1;
	[sflag:s0] =	ssyncset.done @!p0 $0x0  }
0x4b: {  	[sflag:s0] =	ssyncadd.s32 @!p0 s1  }
0x4c: {  	[bflag:$0x3] =	sbarrier.arrive $0xFFFF  }
0x4d: {  	_ =	shalt  }

</sc_bundles>
